<compile_context>
chip_gen: v7x
topology: tpu7x:2x2x1
jax: 0.10.2.dev20260603
libtpu: 0.0.44.dev20260713+nightly
codegen_flags: <defaults>
</compile_context>

<pallas_src>
import functools

import jax
import jax.numpy as jnp
from jax import lax
from jax.experimental import pallas as pl
from jax.experimental.pallas import tpu as pltpu
from jax.experimental.pallas import tpu_sc as plsc

N_CB = 8
CB_ROWS = 2048
SUB = 16
NC = 2
NS = 16
NW = NC * NS
CHUNK = 256
IDX_W = 128


@functools.lru_cache(maxsize=None)
def _build(n_tok: int, vocab: int):
  assert n_tok % (NW * CHUNK) == 0
  per_w = n_tok // NW
  n_chunks = per_w // CHUNK
  n_idx = CHUNK * N_CB

  mesh = plsc.VectorSubcoreMesh(core_axis_name="c", subcore_axis_name="s")

  @functools.partial(
      pl.kernel,
      out_type=jax.ShapeDtypeStruct((n_tok * N_CB, SUB), jnp.float32),
      mesh=mesh,
      scratch_types=[
          pltpu.VMEM_SHARED((CB_ROWS, SUB), jnp.float32),
          pltpu.VMEM((2, CHUNK), jnp.int32),
          pltpu.VMEM((2, CHUNK, N_CB), jnp.int32),
          pltpu.VMEM((n_idx,), jnp.int32),
          pltpu.VMEM((2, n_idx, SUB), jnp.float32),
          pltpu.SemaphoreType.DMA,
          pltpu.SemaphoreType.DMA,
          pltpu.SemaphoreType.DMA,
      ],
      compiler_params=pltpu.CompilerParams(
          needs_layout_passes=False, use_tc_tiling_on_sc=False
      ),
  )
  def pq(tok_hbm, cb_hbm, codes_hbm, out_hbm,
         cb_sh, tok_v, codes_v, idx2_v, out_v, sem_g, sem_o, sem_w):
    cid = lax.axis_index("c")
    sid = lax.axis_index("s")
    wid = cid * NS + sid

    @pl.when(sid == 0)
    def _():
      pltpu.sync_copy(cb_hbm, cb_sh)
    plsc.subcore_barrier()

    lane = lax.iota(jnp.int32, 16)
    row_off = lane >> 3
    col_idx = lane & 7
    pattern = col_idx << 8

    base0 = wid * per_w

    def fetch(g, slot):
      base = base0 + g * CHUNK
      pltpu.sync_copy(tok_hbm.at[pl.ds(base, CHUNK)], tok_v.at[slot])
      for j in range(CHUNK // IDX_W):
        pltpu.async_copy(
            codes_hbm.at[tok_v.at[slot, pl.ds(j * IDX_W, IDX_W)]],
            codes_v.at[slot, pl.ds(j * IDX_W, IDX_W)],
            sem_g,
        )

    def wait_codes(g, slot):
      for j in range(CHUNK // IDX_W):
        pltpu.make_async_copy(
            codes_hbm.at[tok_v.at[slot, pl.ds(j * IDX_W, IDX_W)]],
            codes_v.at[slot, pl.ds(j * IDX_W, IDX_W)],
            sem_g,
        ).wait()

    def out_copy_descriptor(g, slot):
      base = base0 + g * CHUNK
      return pltpu.make_async_copy(
          out_v.at[slot],
          out_hbm.at[pl.ds(base * N_CB, n_idx)],
          sem_w,
      )

    fetch(0, 0)

    def chunk_body(g, carry):
      p = g & 1
      q = 1 - p
      wait_codes(g, p)

      @pl.when(g >= 2)
      def _():
        out_copy_descriptor(g - 2, p).wait()

      n_q = 4
      kq = n_idx // 16 // n_q
      jq = n_idx // IDX_W // n_q
      for h in range(n_q):
        def ew(k, c):
          vals = plsc.load_gather(codes_v.at[p], [2 * k + row_off, col_idx])
          idx2_v[pl.ds(k * 16, 16)] = vals + pattern
          return c
        lax.fori_loop(h * kq, (h + 1) * kq, ew, 0, unroll=8)
        for j in range(h * jq, (h + 1) * jq):
          pltpu.async_copy(
              cb_sh.at[idx2_v.at[pl.ds(j * IDX_W, IDX_W)]],
              out_v.at[p, pl.ds(j * IDX_W, IDX_W)],
              sem_o,
          )

      @pl.when(g + 1 < n_chunks)
      def _():
        fetch(g + 1, q)

      for j in range(n_idx // IDX_W):
        pltpu.make_async_copy(
            cb_sh.at[idx2_v.at[pl.ds(j * IDX_W, IDX_W)]],
            out_v.at[p, pl.ds(j * IDX_W, IDX_W)],
            sem_o,
        ).wait()
      out_copy_descriptor(g, p).start()
      return carry

    lax.fori_loop(0, n_chunks, chunk_body, 0)

    out_copy_descriptor(n_chunks - 2, (n_chunks - 2) & 1).wait()
    out_copy_descriptor(n_chunks - 1, (n_chunks - 1) & 1).wait()

  return pq


def kernel(token_ids, codebooks, codes):
  b, l = token_ids.shape
  n_cb, n_codes, sub = codebooks.shape
  tok = token_ids.reshape(-1).astype(jnp.int32)
  cb = codebooks.reshape(n_cb * n_codes, sub).astype(jnp.float32)
  cds = codes.astype(jnp.int32)
  out = _build(b * l, codes.shape[0])(tok, cb, cds)
  return out.reshape(b, l, n_cb * sub)

# --- scband reference (transcript-rebuilt; emitter-appended) ---
"""Pipeline reference for scband-product-quantized-embedding-20572893348600 (READ-ONLY COPY).

The authoritative reference and input builder live on the scoring server;
editing this copy changes nothing except your own understanding.
"""

import jax, jax.numpy as jnp
import numpy as np

VOCAB = 1000000
D_MODEL = 128
N_CODEBOOKS = 8
N_CODES = 256
SUB_DIM = D_MODEL // N_CODEBOOKS


def setup_inputs(seed: int = 0) -> dict:
    key = jax.random.key(seed)
    k1, k2, k3 = jax.random.split(key, 3)
    token_ids = jax.random.randint(k1, (4096, 200), 0, VOCAB, dtype=jnp.int64 if jax.config.jax_enable_x64 else jnp.int32)
    codebooks = jax.random.normal(k2, (N_CODEBOOKS, N_CODES, SUB_DIM), dtype=jnp.float32)
    codes = jax.random.randint(k3, (VOCAB, N_CODEBOOKS), 0, N_CODES, dtype=jnp.int32)
    return {"token_ids": token_ids, "codebooks": codebooks, "codes": codes}


def reference(token_ids, codebooks, codes):
    # token_codes: [B, L, n_codebooks] gather of per-token code assignments
    token_codes = jnp.take(codes, token_ids, axis=0)
    out = []
    for cb in range(N_CODEBOOKS):
        idx = token_codes[..., cb]
        sub = jnp.take(codebooks[cb], idx, axis=0)
        out.append(sub)
    return jnp.concatenate(out, axis=-1)

if __name__ == "__main__":
    import jax
    _d = setup_inputs()
    print(jax.jit(kernel)(*tuple(_d.values())))

</pallas_src>

<mosaic_0001>
#map = affine_map<(d0, d1) -> (0)>
#map1 = affine_map<(d0, d1) -> (0, 0)>
module attributes {stable_mosaic.version = 14 : i64} {
  func.func @pq(%arg0: i32, %arg1: i32, %arg2: memref<819200xi32, #tpu.memory_space<hbm>>, %arg3: memref<2048x16xf32, #tpu.memory_space<hbm>>, %arg4: memref<1000000x8xi32, #tpu.memory_space<hbm>>, %arg5: memref<6553600x16xf32, #tpu.memory_space<hbm>>, %arg6: memref<2048x16xf32, #tpu.memory_space<vmem_shared>>, %arg7: memref<2x256xi32, #tpu.memory_space<vmem>>, %arg8: memref<2x256x8xi32, #tpu.memory_space<vmem>>, %arg9: memref<2048xi32, #tpu.memory_space<vmem>>, %arg10: memref<2x2048x16xf32, #tpu.memory_space<vmem>>, %arg11: memref<!tpu.dma_semaphore, #tpu.memory_space<semaphore_mem>>, %arg12: memref<!tpu.dma_semaphore, #tpu.memory_space<semaphore_mem>>, %arg13: memref<!tpu.dma_semaphore, #tpu.memory_space<semaphore_mem>>) attributes {dimension_semantics = [#tpu.dimension_semantics<core_parallel>, #tpu.dimension_semantics<subcore_parallel>], iteration_bounds = array<i64: 2, 16>, scalar_prefetch = 0 : i64, scratch_operands = 8 : i64, tpu.core_type = #tpu.core_type<sc_vector_subcore>, window_params = [{transform_indices = #map}, {transform_indices = #map1}, {transform_indices = #map1}, {transform_indices = #map1}]} {
    %mul3A = arith.constant 16 : i32
    %mul3A_0 = arith.muli %arg0, %mul3A : i32
    %add3A = arith.addi %mul3A_0, %arg1 : i32
    %eq3A = arith.constant 0 : i32
    %eq3A_1 = arith.cmpi eq, %arg1, %eq3A : i32
    %convert_element_type3A = arith.extui %eq3A_1 : i1 to i32
    %cond3A = arith.constant 0 : i32
    %cond3A_2 = arith.cmpi ne, %convert_element_type3A, %cond3A : i32
    scf.if %cond3A_2 {
      "tpu.region"() ({
        %run_scoped3A_74 = tpu.sem_alloc : memref<!tpu.dma_semaphore, #tpu.memory_space<semaphore_mem>>
        tpu.enqueue_dma source(%arg3 : memref<2048x16xf32, #tpu.memory_space<hbm>>) target(%arg6 : memref<2048x16xf32, #tpu.memory_space<vmem_shared>>) target_semaphore(%run_scoped3A_74 : memref<!tpu.dma_semaphore, #tpu.memory_space<semaphore_mem>>)
        tpu.wait_dma2 semaphore(%run_scoped3A_74 : memref<!tpu.dma_semaphore, #tpu.memory_space<semaphore_mem>>) src(%arg3 : memref<2048x16xf32, #tpu.memory_space<hbm>>) dst(%arg6 : memref<2048x16xf32, #tpu.memory_space<vmem_shared>>)
        tpu.yield
      }) : () -> ()
    } else {
    }
    %barrier3A = arith.constant 0 : index
    tpu.barrier barrier_id(%barrier3A)
    %iota3A = tpu.iota {dimensions = array<i32: 0>} : vector<16xi32>
    %shift_right_arithmetic3A = arith.constant 3 : i32
    %shift_right_arithmetic3A_3 = vector.broadcast %shift_right_arithmetic3A : i32 to vector<16xi32>
    %shift_right_arithmetic3A_4 = arith.shrsi %iota3A, %shift_right_arithmetic3A_3 : vector<16xi32>
    %and3A = arith.constant 7 : i32
    %and3A_5 = vector.broadcast %and3A : i32 to vector<16xi32>
    %and3A_6 = arith.andi %iota3A, %and3A_5 : vector<16xi32>
    %shift_left3A = arith.constant 8 : i32
    %shift_left3A_7 = vector.broadcast %shift_left3A : i32 to vector<16xi32>
    %shift_left3A_8 = arith.shli %and3A_6, %shift_left3A_7 : vector<16xi32>
    %mul3A_9 = arith.constant 25600 : i32
    %mul3A_10 = arith.muli %add3A, %mul3A_9 : i32
    %add3A_11 = arith.constant 0 : i32
    %add3A_12 = arith.addi %mul3A_10, %add3A_11 : i32
    %run_scoped3A = arith.constant 0 : i32
    "tpu.region"() ({
      %run_scoped3A_74 = tpu.sem_alloc : memref<!tpu.dma_semaphore, #tpu.memory_space<semaphore_mem>>
      %dma_start3A_75 = arith.constant 0 : i32
      %dma_start3A_76 = tpu.memref_slice %arg7[%run_scoped3A, %dma_start3A_75] : memref<2x256xi32, #tpu.memory_space<vmem>> -> memref<1x256xi32, #tpu.memory_space<vmem>>
      %dma_start3A_77 = tpu.memref_squeeze %dma_start3A_76 : memref<1x256xi32, #tpu.memory_space<vmem>> -> memref<256xi32, #tpu.memory_space<vmem>>
      %dma_start3A_78 = tpu.memref_slice %arg2[%add3A_12] : memref<819200xi32, #tpu.memory_space<hbm>> -> memref<256xi32, #tpu.memory_space<hbm>>
      %dma_start3A_79 = arith.constant 0 : i32
      %dma_start3A_80 = tpu.memref_slice %arg7[%run_scoped3A, %dma_start3A_79] : memref<2x256xi32, #tpu.memory_space<vmem>> -> memref<1x256xi32, #tpu.memory_space<vmem>>
      %dma_start3A_81 = tpu.memref_squeeze %dma_start3A_80 : memref<1x256xi32, #tpu.memory_space<vmem>> -> memref<256xi32, #tpu.memory_space<vmem>>
      %dma_start3A_82 = tpu.memref_slice %arg2[%add3A_12] : memref<819200xi32, #tpu.memory_space<hbm>> -> memref<256xi32, #tpu.memory_space<hbm>>
      tpu.enqueue_dma source(%dma_start3A_82 : memref<256xi32, #tpu.memory_space<hbm>>) target(%dma_start3A_81 : memref<256xi32, #tpu.memory_space<vmem>>) target_semaphore(%run_scoped3A_74 : memref<!tpu.dma_semaphore, #tpu.memory_space<semaphore_mem>>)
      %dma_wait3A_83 = arith.constant 0 : i32
      %dma_wait3A_84 = tpu.memref_slice %arg7[%run_scoped3A, %dma_wait3A_83] : memref<2x256xi32, #tpu.memory_space<vmem>> -> memref<1x256xi32, #tpu.memory_space<vmem>>
      %dma_wait3A_85 = tpu.memref_squeeze %dma_wait3A_84 : memref<1x256xi32, #tpu.memory_space<vmem>> -> memref<256xi32, #tpu.memory_space<vmem>>
      %dma_wait3A_86 = tpu.memref_slice %arg2[%add3A_12] : memref<819200xi32, #tpu.memory_space<hbm>> -> memref<256xi32, #tpu.memory_space<hbm>>
      %dma_wait3A_87 = arith.constant 0 : i32
      %dma_wait3A_88 = tpu.memref_slice %arg7[%run_scoped3A, %dma_wait3A_87] : memref<2x256xi32, #tpu.memory_space<vmem>> -> memref<1x256xi32, #tpu.memory_space<vmem>>
      %dma_wait3A_89 = tpu.memref_squeeze %dma_wait3A_88 : memref<1x256xi32, #tpu.memory_space<vmem>> -> memref<256xi32, #tpu.memory_space<vmem>>
      %dma_wait3A_90 = tpu.memref_slice %arg2[%add3A_12] : memref<819200xi32, #tpu.memory_space<hbm>> -> memref<256xi32, #tpu.memory_space<hbm>>
      tpu.wait_dma2 semaphore(%run_scoped3A_74 : memref<!tpu.dma_semaphore, #tpu.memory_space<semaphore_mem>>) src(%dma_wait3A_90 : memref<256xi32, #tpu.memory_space<hbm>>) dst(%dma_wait3A_89 : memref<256xi32, #tpu.memory_space<vmem>>)
      tpu.yield
    }) : () -> ()
    %dma_start3A = arith.constant 0 : i32
    %dma_start3A_13 = arith.constant 0 : i32
    %dma_start3A_14 = arith.constant 0 : i32
    %dma_start3A_15 = arith.constant 0 : i32
    %dma_start3A_16 = tpu.memref_slice %arg8[%dma_start3A_13, %dma_start3A_14, %dma_start3A_15] : memref<2x256x8xi32, #tpu.memory_space<vmem>> -> memref<1x128x8xi32, #tpu.memory_space<vmem>>
    %dma_start3A_17 = tpu.memref_squeeze %dma_start3A_16 : memref<1x128x8xi32, #tpu.memory_space<vmem>> -> memref<128x8xi32, #tpu.memory_space<vmem>>
    %dma_start3A_18 = arith.constant 0 : i32
    %dma_start3A_19 = tpu.memref_slice %arg7[%dma_start3A, %dma_start3A_18] : memref<2x256xi32, #tpu.memory_space<vmem>> -> memref<1x128xi32, #tpu.memory_space<vmem>>
    %dma_start3A_20 = tpu.memref_squeeze %dma_start3A_19 : memref<1x128xi32, #tpu.memory_space<vmem>> -> memref<128xi32, #tpu.memory_space<vmem>>
    %dma_start3A_21 = arith.constant 0 : i32
    %dma_start3A_22 = arith.constant 0 : i32
    %dma_start3A_23 = tpu.memref_slice %arg4[%dma_start3A_21, %dma_start3A_22] : memref<1000000x8xi32, #tpu.memory_space<hbm>> -> memref<1000000x8xi32, #tpu.memory_space<hbm>>
    tpu.enqueue_indirect_dma source(%dma_start3A_23 : memref<1000000x8xi32, #tpu.memory_space<hbm>>) target(%dma_start3A_17 : memref<128x8xi32, #tpu.memory_space<vmem>>) offsets(%dma_start3A_20 : memref<128xi32, #tpu.memory_space<vmem>>) semaphore(%arg11 : memref<!tpu.dma_semaphore, #tpu.memory_space<semaphore_mem>>)
    %dma_start3A_24 = arith.constant 0 : i32
    %dma_start3A_25 = arith.constant 0 : i32
    %dma_start3A_26 = arith.constant 128 : i32
    %dma_start3A_27 = arith.constant 0 : i32
    %dma_start3A_28 = tpu.memref_slice %arg8[%dma_start3A_25, %dma_start3A_26, %dma_start3A_27] : memref<2x256x8xi32, #tpu.memory_space<vmem>> -> memref<1x128x8xi32, #tpu.memory_space<vmem>>
    %dma_start3A_29 = tpu.memref_squeeze %dma_start3A_28 : memref<1x128x8xi32, #tpu.memory_space<vmem>> -> memref<128x8xi32, #tpu.memory_space<vmem>>
    %dma_start3A_30 = arith.constant 128 : i32
    %dma_start3A_31 = tpu.memref_slice %arg7[%dma_start3A_24, %dma_start3A_30] : memref<2x256xi32, #tpu.memory_space<vmem>> -> memref<1x128xi32, #tpu.memory_space<vmem>>
    %dma_start3A_32 = tpu.memref_squeeze %dma_start3A_31 : memref<1x128xi32, #tpu.memory_space<vmem>> -> memref<128xi32, #tpu.memory_space<vmem>>
    %dma_start3A_33 = arith.constant 0 : i32
    %dma_start3A_34 = arith.constant 0 : i32
    %dma_start3A_35 = tpu.memref_slice %arg4[%dma_start3A_33, %dma_start3A_34] : memref<1000000x8xi32, #tpu.memory_space<hbm>> -> memref<1000000x8xi32, #tpu.memory_space<hbm>>
    tpu.enqueue_indirect_dma source(%dma_start3A_35 : memref<1000000x8xi32, #tpu.memory_space<hbm>>) target(%dma_start3A_29 : memref<128x8xi32, #tpu.memory_space<vmem>>) offsets(%dma_start3A_32 : memref<128xi32, #tpu.memory_space<vmem>>) semaphore(%arg11 : memref<!tpu.dma_semaphore, #tpu.memory_space<semaphore_mem>>)
    %scan3A = arith.constant 0 : i32
    %scan3A_36 = arith.constant 0 : i32
    %scan3A_37 = arith.constant 100 : i32
    %scan3A_38 = arith.addi %scan3A_36, %scan3A_37 : i32
    %scan3A_39 = arith.constant 1 : i32
    scf.for %scan3A_74 = %scan3A_36 to %scan3A_38 step %scan3A_39  : i32 {
      %and3A_75 = arith.constant 1 : i32
      %and3A_76 = arith.andi %scan3A_74, %and3A_75 : i32
      %sub3A = arith.constant 1 : i32
      %sub3A_77 = arith.subi %sub3A, %and3A_76 : i32
      %dma_wait3A_78 = arith.constant 0 : i32
      %dma_wait3A_79 = arith.constant 0 : i32
      %dma_wait3A_80 = tpu.memref_slice %arg8[%and3A_76, %dma_wait3A_78, %dma_wait3A_79] : memref<2x256x8xi32, #tpu.memory_space<vmem>> -> memref<1x128x8xi32, #tpu.memory_space<vmem>>
      %dma_wait3A_81 = tpu.memref_squeeze %dma_wait3A_80 : memref<1x128x8xi32, #tpu.memory_space<vmem>> -> memref<128x8xi32, #tpu.memory_space<vmem>>
      %dma_wait3A_82 = arith.constant 0 : i32
      %dma_wait3A_83 = tpu.memref_slice %arg7[%and3A_76, %dma_wait3A_82] : memref<2x256xi32, #tpu.memory_space<vmem>> -> memref<1x128xi32, #tpu.memory_space<vmem>>
      %dma_wait3A_84 = tpu.memref_squeeze %dma_wait3A_83 : memref<1x128xi32, #tpu.memory_space<vmem>> -> memref<128xi32, #tpu.memory_space<vmem>>
      %dma_wait3A_85 = arith.constant 0 : i32
      %dma_wait3A_86 = arith.constant 0 : i32
      %dma_wait3A_87 = tpu.memref_slice %arg4[%dma_wait3A_85, %dma_wait3A_86] : memref<1000000x8xi32, #tpu.memory_space<hbm>> -> memref<1000000x8xi32, #tpu.memory_space<hbm>>
      tpu.wait_indirect_dma semaphore(%arg11 : memref<!tpu.dma_semaphore, #tpu.memory_space<semaphore_mem>>) src(%dma_wait3A_87 : memref<1000000x8xi32, #tpu.memory_space<hbm>>) dst(%dma_wait3A_81 : memref<128x8xi32, #tpu.memory_space<vmem>>)
      %dma_wait3A_88 = arith.constant 128 : i32
      %dma_wait3A_89 = arith.constant 0 : i32
      %dma_wait3A_90 = tpu.memref_slice %arg8[%and3A_76, %dma_wait3A_88, %dma_wait3A_89] : memref<2x256x8xi32, #tpu.memory_space<vmem>> -> memref<1x128x8xi32, #tpu.memory_space<vmem>>
      %dma_wait3A_91 = tpu.memref_squeeze %dma_wait3A_90 : memref<1x128x8xi32, #tpu.memory_space<vmem>> -> memref<128x8xi32, #tpu.memory_space<vmem>>
      %dma_wait3A_92 = arith.constant 128 : i32
      %dma_wait3A_93 = tpu.memref_slice %arg7[%and3A_76, %dma_wait3A_92] : memref<2x256xi32, #tpu.memory_space<vmem>> -> memref<1x128xi32, #tpu.memory_space<vmem>>
      %dma_wait3A_94 = tpu.memref_squeeze %dma_wait3A_93 : memref<1x128xi32, #tpu.memory_space<vmem>> -> memref<128xi32, #tpu.memory_space<vmem>>
      %dma_wait3A_95 = arith.constant 0 : i32
      %dma_wait3A_96 = arith.constant 0 : i32
      %dma_wait3A_97 = tpu.memref_slice %arg4[%dma_wait3A_95, %dma_wait3A_96] : memref<1000000x8xi32, #tpu.memory_space<hbm>> -> memref<1000000x8xi32, #tpu.memory_space<hbm>>
      tpu.wait_indirect_dma semaphore(%arg11 : memref<!tpu.dma_semaphore, #tpu.memory_space<semaphore_mem>>) src(%dma_wait3A_97 : memref<1000000x8xi32, #tpu.memory_space<hbm>>) dst(%dma_wait3A_91 : memref<128x8xi32, #tpu.memory_space<vmem>>)
      %ge3A = arith.constant 2 : i32
      %ge3A_98 = arith.cmpi sge, %scan3A_74, %ge3A : i32
      %convert_element_type3A_99 = arith.extui %ge3A_98 : i1 to i32
      %cond3A_100 = arith.constant 0 : i32
      %cond3A_101 = arith.cmpi ne, %convert_element_type3A_99, %cond3A_100 : i32
      scf.if %cond3A_101 {
        %sub3A_437 = arith.constant 2 : i32
        %sub3A_438 = arith.subi %scan3A_74, %sub3A_437 : i32
        %mul3A_439 = arith.constant 256 : i32
        %mul3A_440 = arith.muli %sub3A_438, %mul3A_439 : i32
        %add3A_441 = arith.addi %mul3A_10, %mul3A_440 : i32
        %mul3A_442 = arith.constant 8 : i32
        %mul3A_443 = arith.muli %add3A_441, %mul3A_442 : i32
        %dma_wait3A_444 = arith.constant 0 : i32
        %dma_wait3A_445 = arith.constant 0 : i32
        %dma_wait3A_446 = tpu.memref_slice %arg10[%and3A_76, %dma_wait3A_444, %dma_wait3A_445] : memref<2x2048x16xf32, #tpu.memory_space<vmem>> -> memref<1x2048x16xf32, #tpu.memory_space<vmem>>
        %dma_wait3A_447 = tpu.memref_squeeze %dma_wait3A_446 : memref<1x2048x16xf32, #tpu.memory_space<vmem>> -> memref<2048x16xf32, #tpu.memory_space<vmem>>
        %dma_wait3A_448 = arith.constant 0 : i32
        %dma_wait3A_449 = tpu.memref_slice %arg5[%mul3A_443, %dma_wait3A_448] : memref<6553600x16xf32, #tpu.memory_space<hbm>> -> memref<2048x16xf32, #tpu.memory_space<hbm>>
        %dma_wait3A_450 = arith.constant 0 : i32
        %dma_wait3A_451 = tpu.memref_slice %arg5[%mul3A_443, %dma_wait3A_450] : memref<6553600x16xf32, #tpu.memory_space<hbm>> -> memref<2048x16xf32, #tpu.memory_space<hbm>>
        %dma_wait3A_452 = arith.constant 0 : i32
        %dma_wait3A_453 = arith.constant 0 : i32
        %dma_wait3A_454 = tpu.memref_slice %arg10[%and3A_76, %dma_wait3A_452, %dma_wait3A_453] : memref<2x2048x16xf32, #tpu.memory_space<vmem>> -> memref<1x2048x16xf32, #tpu.memory_space<vmem>>
        %dma_wait3A_455 = tpu.memref_squeeze %dma_wait3A_454 : memref<1x2048x16xf32, #tpu.memory_space<vmem>> -> memref<2048x16xf32, #tpu.memory_space<vmem>>
        tpu.wait_dma2 semaphore(%arg13 : memref<!tpu.dma_semaphore, #tpu.memory_space<semaphore_mem>>) src(%dma_wait3A_455 : memref<2048x16xf32, #tpu.memory_space<vmem>>) dst(%dma_wait3A_451 : memref<2048x16xf32, #tpu.memory_space<hbm>>)
      } else {
      }
      %scan3A_102 = arith.constant 0 : i32
      %scan3A_103 = arith.constant 0 : i32
      %scan3A_104 = arith.constant 32 : i32
      %scan3A_105 = arith.addi %scan3A_103, %scan3A_104 : i32
      %scan3A_106 = arith.constant 8 : i32
      scf.for %scan3A_437 = %scan3A_103 to %scan3A_105 step %scan3A_106  : i32 {
        %mul3A_438 = arith.constant 2 : i32
        %mul3A_439 = arith.muli %mul3A_438, %scan3A_437 : i32
        %add3A_440 = vector.broadcast %mul3A_439 : i32 to vector<16xi32>
        %add3A_441 = arith.addi %add3A_440, %shift_right_arithmetic3A_4 : vector<16xi32>
        %gather3A = arith.constant 0 : i32
        %gather3A_442 = arith.constant 0 : i32
        %gather3A_443 = tpu.memref_slice %arg8[%and3A_76, %gather3A, %gather3A_442] : memref<2x256x8xi32, #tpu.memory_space<vmem>> -> memref<1x256x8xi32, #tpu.memory_space<vmem>>
        %gather3A_444 = tpu.memref_squeeze %gather3A_443 : memref<1x256x8xi32, #tpu.memory_space<vmem>> -> memref<256x8xi32, #tpu.memory_space<vmem>>
        %gather3A_445 = tpu.vector_load_idx %gather3A_444[%add3A_441, %and3A_6] : memref<256x8xi32, #tpu.memory_space<vmem>>[vector<16xi32>, vector<16xi32>], vector<16xi32>,
        %add3A_446 = arith.addi %gather3A_445, %shift_left3A_8 : vector<16xi32>
        %mul3A_447 = arith.constant 16 : i32
        %mul3A_448 = arith.muli %scan3A_437, %mul3A_447 : i32
        %swap3A = arith.index_cast %mul3A_448 : i32 to index
        %swap3A_449 = tpu.vector_load %arg9[%swap3A] {strides = array<i32>} : memref<2048xi32, #tpu.memory_space<vmem>>, vector<16xi32>,
        tpu.vector_store %arg9[%swap3A], %add3A_446 {strides = array<i32>} : memref<2048xi32, #tpu.memory_space<vmem>>, vector<16xi32>,
        %scan3A_450 = arith.constant 1 : i32
        %scan3A_451 = arith.addi %scan3A_437, %scan3A_450 : i32
        %mul3A_452 = arith.constant 2 : i32
        %mul3A_453 = arith.muli %mul3A_452, %scan3A_451 : i32
        %add3A_454 = vector.broadcast %mul3A_453 : i32 to vector<16xi32>
        %add3A_455 = arith.addi %add3A_454, %shift_right_arithmetic3A_4 : vector<16xi32>
        %gather3A_456 = arith.constant 0 : i32
        %gather3A_457 = arith.constant 0 : i32
        %gather3A_458 = tpu.memref_slice %arg8[%and3A_76, %gather3A_456, %gather3A_457] : memref<2x256x8xi32, #tpu.memory_space<vmem>> -> memref<1x256x8xi32, #tpu.memory_space<vmem>>
        %gather3A_459 = tpu.memref_squeeze %gather3A_458 : memref<1x256x8xi32, #tpu.memory_space<vmem>> -> memref<256x8xi32, #tpu.memory_space<vmem>>
        %gather3A_460 = tpu.vector_load_idx %gather3A_459[%add3A_455, %and3A_6] : memref<256x8xi32, #tpu.memory_space<vmem>>[vector<16xi32>, vector<16xi32>], vector<16xi32>,
        %add3A_461 = arith.addi %gather3A_460, %shift_left3A_8 : vector<16xi32>
        %mul3A_462 = arith.constant 16 : i32
        %mul3A_463 = arith.muli %scan3A_451, %mul3A_462 : i32
        %swap3A_464 = arith.index_cast %mul3A_463 : i32 to index
        %swap3A_465 = tpu.vector_load %arg9[%swap3A_464] {strides = array<i32>} : memref<2048xi32, #tpu.memory_space<vmem>>, vector<16xi32>,
        tpu.vector_store %arg9[%swap3A_464], %add3A_461 {strides = array<i32>} : memref<2048xi32, #tpu.memory_space<vmem>>, vector<16xi32>,
        %scan3A_466 = arith.constant 2 : i32
        %scan3A_467 = arith.addi %scan3A_437, %scan3A_466 : i32
        %mul3A_468 = arith.constant 2 : i32
        %mul3A_469 = arith.muli %mul3A_468, %scan3A_467 : i32
        %add3A_470 = vector.broadcast %mul3A_469 : i32 to vector<16xi32>
        %add3A_471 = arith.addi %add3A_470, %shift_right_arithmetic3A_4 : vector<16xi32>
        %gather3A_472 = arith.constant 0 : i32
        %gather3A_473 = arith.constant 0 : i32
        %gather3A_474 = tpu.memref_slice %arg8[%and3A_76, %gather3A_472, %gather3A_473] : memref<2x256x8xi32, #tpu.memory_space<vmem>> -> memref<1x256x8xi32, #tpu.memory_space<vmem>>
        %gather3A_475 = tpu.memref_squeeze %gather3A_474 : memref<1x256x8xi32, #tpu.memory_space<vmem>> -> memref<256x8xi32, #tpu.memory_space<vmem>>
        %gather3A_476 = tpu.vector_load_idx %gather3A_475[%add3A_471, %and3A_6] : memref<256x8xi32, #tpu.memory_space<vmem>>[vector<16xi32>, vector<16xi32>], vector<16xi32>,
        %add3A_477 = arith.addi %gather3A_476, %shift_left3A_8 : vector<16xi32>
        %mul3A_478 = arith.constant 16 : i32
        %mul3A_479 = arith.muli %scan3A_467, %mul3A_478 : i32
        %swap3A_480 = arith.index_cast %mul3A_479 : i32 to index
        %swap3A_481 = tpu.vector_load %arg9[%swap3A_480] {strides = array<i32>} : memref<2048xi32, #tpu.memory_space<vmem>>, vector<16xi32>,
        tpu.vector_store %arg9[%swap3A_480], %add3A_477 {strides = array<i32>} : memref<2048xi32, #tpu.memory_space<vmem>>, vector<16xi32>,
        %scan3A_482 = arith.constant 3 : i32
        %scan3A_483 = arith.addi %scan3A_437, %scan3A_482 : i32
        %mul3A_484 = arith.constant 2 : i32
        %mul3A_485 = arith.muli %mul3A_484, %scan3A_483 : i32
        %add3A_486 = vector.broadcast %mul3A_485 : i32 to vector<16xi32>
        %add3A_487 = arith.addi %add3A_486, %shift_right_arithmetic3A_4 : vector<16xi32>
        %gather3A_488 = arith.constant 0 : i32
        %gather3A_489 = arith.constant 0 : i32
        %gather3A_490 = tpu.memref_slice %arg8[%and3A_76, %gather3A_488, %gather3A_489] : memref<2x256x8xi32, #tpu.memory_space<vmem>> -> memref<1x256x8xi32, #tpu.memory_space<vmem>>
        %gather3A_491 = tpu.memref_squeeze %gather3A_490 : memref<1x256x8xi32, #tpu.memory_space<vmem>> -> memref<256x8xi32, #tpu.memory_space<vmem>>
        %gather3A_492 = tpu.vector_load_idx %gather3A_491[%add3A_487, %and3A_6] : memref<256x8xi32, #tpu.memory_space<vmem>>[vector<16xi32>, vector<16xi32>], vector<16xi32>,
        %add3A_493 = arith.addi %gather3A_492, %shift_left3A_8 : vector<16xi32>
        %mul3A_494 = arith.constant 16 : i32
        %mul3A_495 = arith.muli %scan3A_483, %mul3A_494 : i32
        %swap3A_496 = arith.index_cast %mul3A_495 : i32 to index
        %swap3A_497 = tpu.vector_load %arg9[%swap3A_496] {strides = array<i32>} : memref<2048xi32, #tpu.memory_space<vmem>>, vector<16xi32>,
        tpu.vector_store %arg9[%swap3A_496], %add3A_493 {strides = array<i32>} : memref<2048xi32, #tpu.memory_space<vmem>>, vector<16xi32>,
        %scan3A_498 = arith.constant 4 : i32
        %scan3A_499 = arith.addi %scan3A_437, %scan3A_498 : i32
        %mul3A_500 = arith.constant 2 : i32
        %mul3A_501 = arith.muli %mul3A_500, %scan3A_499 : i32
        %add3A_502 = vector.broadcast %mul3A_501 : i32 to vector<16xi32>
        %add3A_503 = arith.addi %add3A_502, %shift_right_arithmetic3A_4 : vector<16xi32>
        %gather3A_504 = arith.constant 0 : i32
        %gather3A_505 = arith.constant 0 : i32
        %gather3A_506 = tpu.memref_slice %arg8[%and3A_76, %gather3A_504, %gather3A_505] : memref<2x256x8xi32, #tpu.memory_space<vmem>> -> memref<1x256x8xi32, #tpu.memory_space<vmem>>
        %gather3A_507 = tpu.memref_squeeze %gather3A_506 : memref<1x256x8xi32, #tpu.memory_space<vmem>> -> memref<256x8xi32, #tpu.memory_space<vmem>>
        %gather3A_508 = tpu.vector_load_idx %gather3A_507[%add3A_503, %and3A_6] : memref<256x8xi32, #tpu.memory_space<vmem>>[vector<16xi32>, vector<16xi32>], vector<16xi32>,
        %add3A_509 = arith.addi %gather3A_508, %shift_left3A_8 : vector<16xi32>
        %mul3A_510 = arith.constant 16 : i32
        %mul3A_511 = arith.muli %scan3A_499, %mul3A_510 : i32
        %swap3A_512 = arith.index_cast %mul3A_511 : i32 to index
        %swap3A_513 = tpu.vector_load %arg9[%swap3A_512] {strides = array<i32>} : memref<2048xi32, #tpu.memory_space<vmem>>, vector<16xi32>,
        tpu.vector_store %arg9[%swap3A_512], %add3A_509 {strides = array<i32>} : memref<2048xi32, #tpu.memory_space<vmem>>, vector<16xi32>,
        %scan3A_514 = arith.constant 5 : i32
        %scan3A_515 = arith.addi %scan3A_437, %scan3A_514 : i32
        %mul3A_516 = arith.constant 2 : i32
        %mul3A_517 = arith.muli %mul3A_516, %scan3A_515 : i32
        %add3A_518 = vector.broadcast %mul3A_517 : i32 to vector<16xi32>
        %add3A_519 = arith.addi %add3A_518, %shift_right_arithmetic3A_4 : vector<16xi32>
        %gather3A_520 = arith.constant 0 : i32
        %gather3A_521 = arith.constant 0 : i32
        %gather3A_522 = tpu.memref_slice %arg8[%and3A_76, %gather3A_520, %gather3A_521] : memref<2x256x8xi32, #tpu.memory_space<vmem>> -> memref<1x256x8xi32, #tpu.memory_space<vmem>>
        %gather3A_523 = tpu.memref_squeeze %gather3A_522 : memref<1x256x8xi32, #tpu.memory_space<vmem>> -> memref<256x8xi32, #tpu.memory_space<vmem>>
        %gather3A_524 = tpu.vector_load_idx %gather3A_523[%add3A_519, %and3A_6] : memref<256x8xi32, #tpu.memory_space<vmem>>[vector<16xi32>, vector<16xi32>], vector<16xi32>,
        %add3A_525 = arith.addi %gather3A_524, %shift_left3A_8 : vector<16xi32>
        %mul3A_526 = arith.constant 16 : i32
        %mul3A_527 = arith.muli %scan3A_515, %mul3A_526 : i32
        %swap3A_528 = arith.index_cast %mul3A_527 : i32 to index
        %swap3A_529 = tpu.vector_load %arg9[%swap3A_528] {strides = array<i32>} : memref<2048xi32, #tpu.memory_space<vmem>>, vector<16xi32>,
        tpu.vector_store %arg9[%swap3A_528], %add3A_525 {strides = array<i32>} : memref<2048xi32, #tpu.memory_space<vmem>>, vector<16xi32>,
        %scan3A_530 = arith.constant 6 : i32
        %scan3A_531 = arith.addi %scan3A_437, %scan3A_530 : i32
        %mul3A_532 = arith.constant 2 : i32
        %mul3A_533 = arith.muli %mul3A_532, %scan3A_531 : i32
        %add3A_534 = vector.broadcast %mul3A_533 : i32 to vector<16xi32>
        %add3A_535 = arith.addi %add3A_534, %shift_right_arithmetic3A_4 : vector<16xi32>
        %gather3A_536 = arith.constant 0 : i32
        %gather3A_537 = arith.constant 0 : i32
        %gather3A_538 = tpu.memref_slice %arg8[%and3A_76, %gather3A_536, %gather3A_537] : memref<2x256x8xi32, #tpu.memory_space<vmem>> -> memref<1x256x8xi32, #tpu.memory_space<vmem>>
        %gather3A_539 = tpu.memref_squeeze %gather3A_538 : memref<1x256x8xi32, #tpu.memory_space<vmem>> -> memref<256x8xi32, #tpu.memory_space<vmem>>
        %gather3A_540 = tpu.vector_load_idx %gather3A_539[%add3A_535, %and3A_6] : memref<256x8xi32, #tpu.memory_space<vmem>>[vector<16xi32>, vector<16xi32>], vector<16xi32>,
        %add3A_541 = arith.addi %gather3A_540, %shift_left3A_8 : vector<16xi32>
        %mul3A_542 = arith.constant 16 : i32
        %mul3A_543 = arith.muli %scan3A_531, %mul3A_542 : i32
        %swap3A_544 = arith.index_cast %mul3A_543 : i32 to index
        %swap3A_545 = tpu.vector_load %arg9[%swap3A_544] {strides = array<i32>} : memref<2048xi32, #tpu.memory_space<vmem>>, vector<16xi32>,
        tpu.vector_store %arg9[%swap3A_544], %add3A_541 {strides = array<i32>} : memref<2048xi32, #tpu.memory_space<vmem>>, vector<16xi32>,
        %scan3A_546 = arith.constant 7 : i32
        %scan3A_547 = arith.addi %scan3A_437, %scan3A_546 : i32
        %mul3A_548 = arith.constant 2 : i32
        %mul3A_549 = arith.muli %mul3A_548, %scan3A_547 : i32
        %add3A_550 = vector.broadcast %mul3A_549 : i32 to vector<16xi32>
        %add3A_551 = arith.addi %add3A_550, %shift_right_arithmetic3A_4 : vector<16xi32>
        %gather3A_552 = arith.constant 0 : i32
        %gather3A_553 = arith.constant 0 : i32
        %gather3A_554 = tpu.memref_slice %arg8[%and3A_76, %gather3A_552, %gather3A_553] : memref<2x256x8xi32, #tpu.memory_space<vmem>> -> memref<1x256x8xi32, #tpu.memory_space<vmem>>
        %gather3A_555 = tpu.memref_squeeze %gather3A_554 : memref<1x256x8xi32, #tpu.memory_space<vmem>> -> memref<256x8xi32, #tpu.memory_space<vmem>>
        %gather3A_556 = tpu.vector_load_idx %gather3A_555[%add3A_551, %and3A_6] : memref<256x8xi32, #tpu.memory_space<vmem>>[vector<16xi32>, vector<16xi32>], vector<16xi32>,
        %add3A_557 = arith.addi %gather3A_556, %shift_left3A_8 : vector<16xi32>
        %mul3A_558 = arith.constant 16 : i32
        %mul3A_559 = arith.muli %scan3A_547, %mul3A_558 : i32
        %swap3A_560 = arith.index_cast %mul3A_559 : i32 to index
        %swap3A_561 = tpu.vector_load %arg9[%swap3A_560] {strides = array<i32>} : memref<2048xi32, #tpu.memory_space<vmem>>, vector<16xi32>,
        tpu.vector_store %arg9[%swap3A_560], %add3A_557 {strides = array<i32>} : memref<2048xi32, #tpu.memory_space<vmem>>, vector<16xi32>,
      }
      %scan3A_107 = arith.constant 32 : i32
      %dma_start3A_108 = arith.constant 0 : i32
      %dma_start3A_109 = arith.constant 0 : i32
      %dma_start3A_110 = tpu.memref_slice %arg10[%and3A_76, %dma_start3A_108, %dma_start3A_109] : memref<2x2048x16xf32, #tpu.memory_space<vmem>> -> memref<1x128x16xf32, #tpu.memory_space<vmem>>
      %dma_start3A_111 = tpu.memref_squeeze %dma_start3A_110 : memref<1x128x16xf32, #tpu.memory_space<vmem>> -> memref<128x16xf32, #tpu.memory_space<vmem>>
      %dma_start3A_112 = arith.constant 0 : i32
      %dma_start3A_113 = tpu.memref_slice %arg9[%dma_start3A_112] : memref<2048xi32, #tpu.memory_space<vmem>> -> memref<128xi32, #tpu.memory_space<vmem>>
      %dma_start3A_114 = arith.constant 0 : i32
      %dma_start3A_115 = arith.constant 0 : i32
      %dma_start3A_116 = tpu.memref_slice %arg6[%dma_start3A_114, %dma_start3A_115] : memref<2048x16xf32, #tpu.memory_space<vmem_shared>> -> memref<2048x16xf32, #tpu.memory_space<vmem_shared>>
      tpu.enqueue_indirect_dma source(%dma_start3A_116 : memref<2048x16xf32, #tpu.memory_space<vmem_shared>>) target(%dma_start3A_111 : memref<128x16xf32, #tpu.memory_space<vmem>>) offsets(%dma_start3A_113 : memref<128xi32, #tpu.memory_space<vmem>>) semaphore(%arg12 : memref<!tpu.dma_semaphore, #tpu.memory_space<semaphore_mem>>)
      %dma_start3A_117 = arith.constant 128 : i32
      %dma_start3A_118 = arith.constant 0 : i32
      %dma_start3A_119 = tpu.memref_slice %arg10[%and3A_76, %dma_start3A_117, %dma_start3A_118] : memref<2x2048x16xf32, #tpu.memory_space<vmem>> -> memref<1x128x16xf32, #tpu.memory_space<vmem>>
      %dma_start3A_120 = tpu.memref_squeeze %dma_start3A_119 : memref<1x128x16xf32, #tpu.memory_space<vmem>> -> memref<128x16xf32, #tpu.memory_space<vmem>>
      %dma_start3A_121 = arith.constant 128 : i32
      %dma_start3A_122 = tpu.memref_slice %arg9[%dma_start3A_121] : memref<2048xi32, #tpu.memory_space<vmem>> -> memref<128xi32, #tpu.memory_space<vmem>>
      %dma_start3A_123 = arith.constant 0 : i32
      %dma_start3A_124 = arith.constant 0 : i32
      %dma_start3A_125 = tpu.memref_slice %arg6[%dma_start3A_123, %dma_start3A_124] : memref<2048x16xf32, #tpu.memory_space<vmem_shared>> -> memref<2048x16xf32, #tpu.memory_space<vmem_shared>>
      tpu.enqueue_indirect_dma source(%dma_start3A_125 : memref<2048x16xf32, #tpu.memory_space<vmem_shared>>) target(%dma_start3A_120 : memref<128x16xf32, #tpu.memory_space<vmem>>) offsets(%dma_start3A_122 : memref<128xi32, #tpu.memory_space<vmem>>) semaphore(%arg12 : memref<!tpu.dma_semaphore, #tpu.memory_space<semaphore_mem>>)
      %dma_start3A_126 = arith.constant 256 : i32
      %dma_start3A_127 = arith.constant 0 : i32
      %dma_start3A_128 = tpu.memref_slice %arg10[%and3A_76, %dma_start3A_126, %dma_start3A_127] : memref<2x2048x16xf32, #tpu.memory_space<vmem>> -> memref<1x128x16xf32, #tpu.memory_space<vmem>>
      %dma_start3A_129 = tpu.memref_squeeze %dma_start3A_128 : memref<1x128x16xf32, #tpu.memory_space<vmem>> -> memref<128x16xf32, #tpu.memory_space<vmem>>
      %dma_start3A_130 = arith.constant 256 : i32
      %dma_start3A_131 = tpu.memref_slice %arg9[%dma_start3A_130] : memref<2048xi32, #tpu.memory_space<vmem>> -> memref<128xi32, #tpu.memory_space<vmem>>
      %dma_start3A_132 = arith.constant 0 : i32
      %dma_start3A_133 = arith.constant 0 : i32
      %dma_start3A_134 = tpu.memref_slice %arg6[%dma_start3A_132, %dma_start3A_133] : memref<2048x16xf32, #tpu.memory_space<vmem_shared>> -> memref<2048x16xf32, #tpu.memory_space<vmem_shared>>
      tpu.enqueue_indirect_dma source(%dma_start3A_134 : memref<2048x16xf32, #tpu.memory_space<vmem_shared>>) target(%dma_start3A_129 : memref<128x16xf32, #tpu.memory_space<vmem>>) offsets(%dma_start3A_131 : memref<128xi32, #tpu.memory_space<vmem>>) semaphore(%arg12 : memref<!tpu.dma_semaphore, #tpu.memory_space<semaphore_mem>>)
      %dma_start3A_135 = arith.constant 384 : i32
      %dma_start3A_136 = arith.constant 0 : i32
      %dma_start3A_137 = tpu.memref_slice %arg10[%and3A_76, %dma_start3A_135, %dma_start3A_136] : memref<2x2048x16xf32, #tpu.memory_space<vmem>> -> memref<1x128x16xf32, #tpu.memory_space<vmem>>
      %dma_start3A_138 = tpu.memref_squeeze %dma_start3A_137 : memref<1x128x16xf32, #tpu.memory_space<vmem>> -> memref<128x16xf32, #tpu.memory_space<vmem>>
      %dma_start3A_139 = arith.constant 384 : i32
      %dma_start3A_140 = tpu.memref_slice %arg9[%dma_start3A_139] : memref<2048xi32, #tpu.memory_space<vmem>> -> memref<128xi32, #tpu.memory_space<vmem>>
      %dma_start3A_141 = arith.constant 0 : i32
      %dma_start3A_142 = arith.constant 0 : i32
      %dma_start3A_143 = tpu.memref_slice %arg6[%dma_start3A_141, %dma_start3A_142] : memref<2048x16xf32, #tpu.memory_space<vmem_shared>> -> memref<2048x16xf32, #tpu.memory_space<vmem_shared>>
      tpu.enqueue_indirect_dma source(%dma_start3A_143 : memref<2048x16xf32, #tpu.memory_space<vmem_shared>>) target(%dma_start3A_138 : memref<128x16xf32, #tpu.memory_space<vmem>>) offsets(%dma_start3A_140 : memref<128xi32, #tpu.memory_space<vmem>>) semaphore(%arg12 : memref<!tpu.dma_semaphore, #tpu.memory_space<semaphore_mem>>)
      %scan3A_144 = arith.constant 0 : i32
      %scan3A_145 = arith.constant 32 : i32
      %scan3A_146 = arith.constant 32 : i32
      %scan3A_147 = arith.addi %scan3A_145, %scan3A_146 : i32
      %scan3A_148 = arith.constant 8 : i32
      scf.for %scan3A_437 = %scan3A_145 to %scan3A_147 step %scan3A_148  : i32 {
        %mul3A_438 = arith.constant 2 : i32
        %mul3A_439 = arith.muli %mul3A_438, %scan3A_437 : i32
        %add3A_440 = vector.broadcast %mul3A_439 : i32 to vector<16xi32>
        %add3A_441 = arith.addi %add3A_440, %shift_right_arithmetic3A_4 : vector<16xi32>
        %gather3A = arith.constant 0 : i32
        %gather3A_442 = arith.constant 0 : i32
        %gather3A_443 = tpu.memref_slice %arg8[%and3A_76, %gather3A, %gather3A_442] : memref<2x256x8xi32, #tpu.memory_space<vmem>> -> memref<1x256x8xi32, #tpu.memory_space<vmem>>
        %gather3A_444 = tpu.memref_squeeze %gather3A_443 : memref<1x256x8xi32, #tpu.memory_space<vmem>> -> memref<256x8xi32, #tpu.memory_space<vmem>>
        %gather3A_445 = tpu.vector_load_idx %gather3A_444[%add3A_441, %and3A_6] : memref<256x8xi32, #tpu.memory_space<vmem>>[vector<16xi32>, vector<16xi32>], vector<16xi32>,
        %add3A_446 = arith.addi %gather3A_445, %shift_left3A_8 : vector<16xi32>
        %mul3A_447 = arith.constant 16 : i32
        %mul3A_448 = arith.muli %scan3A_437, %mul3A_447 : i32
        %swap3A = arith.index_cast %mul3A_448 : i32 to index
        %swap3A_449 = tpu.vector_load %arg9[%swap3A] {strides = array<i32>} : memref<2048xi32, #tpu.memory_space<vmem>>, vector<16xi32>,
        tpu.vector_store %arg9[%swap3A], %add3A_446 {strides = array<i32>} : memref<2048xi32, #tpu.memory_space<vmem>>, vector<16xi32>,
        %scan3A_450 = arith.constant 1 : i32
        %scan3A_451 = arith.addi %scan3A_437, %scan3A_450 : i32
        %mul3A_452 = arith.constant 2 : i32
        %mul3A_453 = arith.muli %mul3A_452, %scan3A_451 : i32
        %add3A_454 = vector.broadcast %mul3A_453 : i32 to vector<16xi32>
        %add3A_455 = arith.addi %add3A_454, %shift_right_arithmetic3A_4 : vector<16xi32>
        %gather3A_456 = arith.constant 0 : i32
        %gather3A_457 = arith.constant 0 : i32
        %gather3A_458 = tpu.memref_slice %arg8[%and3A_76, %gather3A_456, %gather3A_457] : memref<2x256x8xi32, #tpu.memory_space<vmem>> -> memref<1x256x8xi32, #tpu.memory_space<vmem>>
        %gather3A_459 = tpu.memref_squeeze %gather3A_458 : memref<1x256x8xi32, #tpu.memory_space<vmem>> -> memref<256x8xi32, #tpu.memory_space<vmem>>
        %gather3A_460 = tpu.vector_load_idx %gather3A_459[%add3A_455, %and3A_6] : memref<256x8xi32, #tpu.memory_space<vmem>>[vector<16xi32>, vector<16xi32>], vector<16xi32>,
        %add3A_461 = arith.addi %gather3A_460, %shift_left3A_8 : vector<16xi32>
        %mul3A_462 = arith.constant 16 : i32
        %mul3A_463 = arith.muli %scan3A_451, %mul3A_462 : i32
        %swap3A_464 = arith.index_cast %mul3A_463 : i32 to index
        %swap3A_465 = tpu.vector_load %arg9[%swap3A_464] {strides = array<i32>} : memref<2048xi32, #tpu.memory_space<vmem>>, vector<16xi32>,
        tpu.vector_store %arg9[%swap3A_464], %add3A_461 {strides = array<i32>} : memref<2048xi32, #tpu.memory_space<vmem>>, vector<16xi32>,
        %scan3A_466 = arith.constant 2 : i32
        %scan3A_467 = arith.addi %scan3A_437, %scan3A_466 : i32
        %mul3A_468 = arith.constant 2 : i32
        %mul3A_469 = arith.muli %mul3A_468, %scan3A_467 : i32
        %add3A_470 = vector.broadcast %mul3A_469 : i32 to vector<16xi32>
        %add3A_471 = arith.addi %add3A_470, %shift_right_arithmetic3A_4 : vector<16xi32>
        %gather3A_472 = arith.constant 0 : i32
        %gather3A_473 = arith.constant 0 : i32
        %gather3A_474 = tpu.memref_slice %arg8[%and3A_76, %gather3A_472, %gather3A_473] : memref<2x256x8xi32, #tpu.memory_space<vmem>> -> memref<1x256x8xi32, #tpu.memory_space<vmem>>
        %gather3A_475 = tpu.memref_squeeze %gather3A_474 : memref<1x256x8xi32, #tpu.memory_space<vmem>> -> memref<256x8xi32, #tpu.memory_space<vmem>>
        %gather3A_476 = tpu.vector_load_idx %gather3A_475[%add3A_471, %and3A_6] : memref<256x8xi32, #tpu.memory_space<vmem>>[vector<16xi32>, vector<16xi32>], vector<16xi32>,
        %add3A_477 = arith.addi %gather3A_476, %shift_left3A_8 : vector<16xi32>
        %mul3A_478 = arith.constant 16 : i32
        %mul3A_479 = arith.muli %scan3A_467, %mul3A_478 : i32
        %swap3A_480 = arith.index_cast %mul3A_479 : i32 to index
        %swap3A_481 = tpu.vector_load %arg9[%swap3A_480] {strides = array<i32>} : memref<2048xi32, #tpu.memory_space<vmem>>, vector<16xi32>,
        tpu.vector_store %arg9[%swap3A_480], %add3A_477 {strides = array<i32>} : memref<2048xi32, #tpu.memory_space<vmem>>, vector<16xi32>,
        %scan3A_482 = arith.constant 3 : i32
        %scan3A_483 = arith.addi %scan3A_437, %scan3A_482 : i32
        %mul3A_484 = arith.constant 2 : i32
        %mul3A_485 = arith.muli %mul3A_484, %scan3A_483 : i32
        %add3A_486 = vector.broadcast %mul3A_485 : i32 to vector<16xi32>
        %add3A_487 = arith.addi %add3A_486, %shift_right_arithmetic3A_4 : vector<16xi32>
        %gather3A_488 = arith.constant 0 : i32
        %gather3A_489 = arith.constant 0 : i32
        %gather3A_490 = tpu.memref_slice %arg8[%and3A_76, %gather3A_488, %gather3A_489] : memref<2x256x8xi32, #tpu.memory_space<vmem>> -> memref<1x256x8xi32, #tpu.memory_space<vmem>>
        %gather3A_491 = tpu.memref_squeeze %gather3A_490 : memref<1x256x8xi32, #tpu.memory_space<vmem>> -> memref<256x8xi32, #tpu.memory_space<vmem>>
        %gather3A_492 = tpu.vector_load_idx %gather3A_491[%add3A_487, %and3A_6] : memref<256x8xi32, #tpu.memory_space<vmem>>[vector<16xi32>, vector<16xi32>], vector<16xi32>,
        %add3A_493 = arith.addi %gather3A_492, %shift_left3A_8 : vector<16xi32>
        %mul3A_494 = arith.constant 16 : i32
        %mul3A_495 = arith.muli %scan3A_483, %mul3A_494 : i32
        %swap3A_496 = arith.index_cast %mul3A_495 : i32 to index
        %swap3A_497 = tpu.vector_load %arg9[%swap3A_496] {strides = array<i32>} : memref<2048xi32, #tpu.memory_space<vmem>>, vector<16xi32>,
        tpu.vector_store %arg9[%swap3A_496], %add3A_493 {strides = array<i32>} : memref<2048xi32, #tpu.memory_space<vmem>>, vector<16xi32>,
        %scan3A_498 = arith.constant 4 : i32
        %scan3A_499 = arith.addi %scan3A_437, %scan3A_498 : i32
        %mul3A_500 = arith.constant 2 : i32
        %mul3A_501 = arith.muli %mul3A_500, %scan3A_499 : i32
        %add3A_502 = vector.broadcast %mul3A_501 : i32 to vector<16xi32>
        %add3A_503 = arith.addi %add3A_502, %shift_right_arithmetic3A_4 : vector<16xi32>
        %gather3A_504 = arith.constant 0 : i32
        %gather3A_505 = arith.constant 0 : i32
        %gather3A_506 = tpu.memref_slice %arg8[%and3A_76, %gather3A_504, %gather3A_505] : memref<2x256x8xi32, #tpu.memory_space<vmem>> -> memref<1x256x8xi32, #tpu.memory_space<vmem>>
        %gather3A_507 = tpu.memref_squeeze %gather3A_506 : memref<1x256x8xi32, #tpu.memory_space<vmem>> -> memref<256x8xi32, #tpu.memory_space<vmem>>
        %gather3A_508 = tpu.vector_load_idx %gather3A_507[%add3A_503, %and3A_6] : memref<256x8xi32, #tpu.memory_space<vmem>>[vector<16xi32>, vector<16xi32>], vector<16xi32>,
        %add3A_509 = arith.addi %gather3A_508, %shift_left3A_8 : vector<16xi32>
        %mul3A_510 = arith.constant 16 : i32
        %mul3A_511 = arith.muli %scan3A_499, %mul3A_510 : i32
        %swap3A_512 = arith.index_cast %mul3A_511 : i32 to index
        %swap3A_513 = tpu.vector_load %arg9[%swap3A_512] {strides = array<i32>} : memref<2048xi32, #tpu.memory_space<vmem>>, vector<16xi32>,
        tpu.vector_store %arg9[%swap3A_512], %add3A_509 {strides = array<i32>} : memref<2048xi32, #tpu.memory_space<vmem>>, vector<16xi32>,
        %scan3A_514 = arith.constant 5 : i32
        %scan3A_515 = arith.addi %scan3A_437, %scan3A_514 : i32
        %mul3A_516 = arith.constant 2 : i32
        %mul3A_517 = arith.muli %mul3A_516, %scan3A_515 : i32
        %add3A_518 = vector.broadcast %mul3A_517 : i32 to vector<16xi32>
        %add3A_519 = arith.addi %add3A_518, %shift_right_arithmetic3A_4 : vector<16xi32>
        %gather3A_520 = arith.constant 0 : i32
        %gather3A_521 = arith.constant 0 : i32
        %gather3A_522 = tpu.memref_slice %arg8[%and3A_76, %gather3A_520, %gather3A_521] : memref<2x256x8xi32, #tpu.memory_space<vmem>> -> memref<1x256x8xi32, #tpu.memory_space<vmem>>
        %gather3A_523 = tpu.memref_squeeze %gather3A_522 : memref<1x256x8xi32, #tpu.memory_space<vmem>> -> memref<256x8xi32, #tpu.memory_space<vmem>>
        %gather3A_524 = tpu.vector_load_idx %gather3A_523[%add3A_519, %and3A_6] : memref<256x8xi32, #tpu.memory_space<vmem>>[vector<16xi32>, vector<16xi32>], vector<16xi32>,
        %add3A_525 = arith.addi %gather3A_524, %shift_left3A_8 : vector<16xi32>
        %mul3A_526 = arith.constant 16 : i32
        %mul3A_527 = arith.muli %scan3A_515, %mul3A_526 : i32
        %swap3A_528 = arith.index_cast %mul3A_527 : i32 to index
        %swap3A_529 = tpu.vector_load %arg9[%swap3A_528] {strides = array<i32>} : memref<2048xi32, #tpu.memory_space<vmem>>, vector<16xi32>,
        tpu.vector_store %arg9[%swap3A_528], %add3A_525 {strides = array<i32>} : memref<2048xi32, #tpu.memory_space<vmem>>, vector<16xi32>,
        %scan3A_530 = arith.constant 6 : i32
        %scan3A_531 = arith.addi %scan3A_437, %scan3A_530 : i32
        %mul3A_532 = arith.constant 2 : i32
        %mul3A_533 = arith.muli %mul3A_532, %scan3A_531 : i32
        %add3A_534 = vector.broadcast %mul3A_533 : i32 to vector<16xi32>
        %add3A_535 = arith.addi %add3A_534, %shift_right_arithmetic3A_4 : vector<16xi32>
        %gather3A_536 = arith.constant 0 : i32
        %gather3A_537 = arith.constant 0 : i32
        %gather3A_538 = tpu.memref_slice %arg8[%and3A_76, %gather3A_536, %gather3A_537] : memref<2x256x8xi32, #tpu.memory_space<vmem>> -> memref<1x256x8xi32, #tpu.memory_space<vmem>>
        %gather3A_539 = tpu.memref_squeeze %gather3A_538 : memref<1x256x8xi32, #tpu.memory_space<vmem>> -> memref<256x8xi32, #tpu.memory_space<vmem>>
        %gather3A_540 = tpu.vector_load_idx %gather3A_539[%add3A_535, %and3A_6] : memref<256x8xi32, #tpu.memory_space<vmem>>[vector<16xi32>, vector<16xi32>], vector<16xi32>,
        %add3A_541 = arith.addi %gather3A_540, %shift_left3A_8 : vector<16xi32>
        %mul3A_542 = arith.constant 16 : i32
        %mul3A_543 = arith.muli %scan3A_531, %mul3A_542 : i32
        %swap3A_544 = arith.index_cast %mul3A_543 : i32 to index
        %swap3A_545 = tpu.vector_load %arg9[%swap3A_544] {strides = array<i32>} : memref<2048xi32, #tpu.memory_space<vmem>>, vector<16xi32>,
        tpu.vector_store %arg9[%swap3A_544], %add3A_541 {strides = array<i32>} : memref<2048xi32, #tpu.memory_space<vmem>>, vector<16xi32>,
        %scan3A_546 = arith.constant 7 : i32
        %scan3A_547 = arith.addi %scan3A_437, %scan3A_546 : i32
        %mul3A_548 = arith.constant 2 : i32
        %mul3A_549 = arith.muli %mul3A_548, %scan3A_547 : i32
        %add3A_550 = vector.broadcast %mul3A_549 : i32 to vector<16xi32>
        %add3A_551 = arith.addi %add3A_550, %shift_right_arithmetic3A_4 : vector<16xi32>
        %gather3A_552 = arith.constant 0 : i32
        %gather3A_553 = arith.constant 0 : i32
        %gather3A_554 = tpu.memref_slice %arg8[%and3A_76, %gather3A_552, %gather3A_553] : memref<2x256x8xi32, #tpu.memory_space<vmem>> -> memref<1x256x8xi32, #tpu.memory_space<vmem>>
        %gather3A_555 = tpu.memref_squeeze %gather3A_554 : memref<1x256x8xi32, #tpu.memory_space<vmem>> -> memref<256x8xi32, #tpu.memory_space<vmem>>
        %gather3A_556 = tpu.vector_load_idx %gather3A_555[%add3A_551, %and3A_6] : memref<256x8xi32, #tpu.memory_space<vmem>>[vector<16xi32>, vector<16xi32>], vector<16xi32>,
        %add3A_557 = arith.addi %gather3A_556, %shift_left3A_8 : vector<16xi32>
        %mul3A_558 = arith.constant 16 : i32
        %mul3A_559 = arith.muli %scan3A_547, %mul3A_558 : i32
        %swap3A_560 = arith.index_cast %mul3A_559 : i32 to index
        %swap3A_561 = tpu.vector_load %arg9[%swap3A_560] {strides = array<i32>} : memref<2048xi32, #tpu.memory_space<vmem>>, vector<16xi32>,
        tpu.vector_store %arg9[%swap3A_560], %add3A_557 {strides = array<i32>} : memref<2048xi32, #tpu.memory_space<vmem>>, vector<16xi32>,
      }
      %scan3A_149 = arith.constant 32 : i32
      %dma_start3A_150 = arith.constant 512 : i32
      %dma_start3A_151 = arith.constant 0 : i32
      %dma_start3A_152 = tpu.memref_slice %arg10[%and3A_76, %dma_start3A_150, %dma_start3A_151] : memref<2x2048x16xf32, #tpu.memory_space<vmem>> -> memref<1x128x16xf32, #tpu.memory_space<vmem>>
      %dma_start3A_153 = tpu.memref_squeeze %dma_start3A_152 : memref<1x128x16xf32, #tpu.memory_space<vmem>> -> memref<128x16xf32, #tpu.memory_space<vmem>>
      %dma_start3A_154 = arith.constant 512 : i32
      %dma_start3A_155 = tpu.memref_slice %arg9[%dma_start3A_154] : memref<2048xi32, #tpu.memory_space<vmem>> -> memref<128xi32, #tpu.memory_space<vmem>>
      %dma_start3A_156 = arith.constant 0 : i32
      %dma_start3A_157 = arith.constant 0 : i32
      %dma_start3A_158 = tpu.memref_slice %arg6[%dma_start3A_156, %dma_start3A_157] : memref<2048x16xf32, #tpu.memory_space<vmem_shared>> -> memref<2048x16xf32, #tpu.memory_space<vmem_shared>>
      tpu.enqueue_indirect_dma source(%dma_start3A_158 : memref<2048x16xf32, #tpu.memory_space<vmem_shared>>) target(%dma_start3A_153 : memref<128x16xf32, #tpu.memory_space<vmem>>) offsets(%dma_start3A_155 : memref<128xi32, #tpu.memory_space<vmem>>) semaphore(%arg12 : memref<!tpu.dma_semaphore, #tpu.memory_space<semaphore_mem>>)
      %dma_start3A_159 = arith.constant 640 : i32
      %dma_start3A_160 = arith.constant 0 : i32
      %dma_start3A_161 = tpu.memref_slice %arg10[%and3A_76, %dma_start3A_159, %dma_start3A_160] : memref<2x2048x16xf32, #tpu.memory_space<vmem>> -> memref<1x128x16xf32, #tpu.memory_space<vmem>>
      %dma_start3A_162 = tpu.memref_squeeze %dma_start3A_161 : memref<1x128x16xf32, #tpu.memory_space<vmem>> -> memref<128x16xf32, #tpu.memory_space<vmem>>
      %dma_start3A_163 = arith.constant 640 : i32
      %dma_start3A_164 = tpu.memref_slice %arg9[%dma_start3A_163] : memref<2048xi32, #tpu.memory_space<vmem>> -> memref<128xi32, #tpu.memory_space<vmem>>
      %dma_start3A_165 = arith.constant 0 : i32
      %dma_start3A_166 = arith.constant 0 : i32
      %dma_start3A_167 = tpu.memref_slice %arg6[%dma_start3A_165, %dma_start3A_166] : memref<2048x16xf32, #tpu.memory_space<vmem_shared>> -> memref<2048x16xf32, #tpu.memory_space<vmem_shared>>
      tpu.enqueue_indirect_dma source(%dma_start3A_167 : memref<2048x16xf32, #tpu.memory_space<vmem_shared>>) target(%dma_start3A_162 : memref<128x16xf32, #tpu.memory_space<vmem>>) offsets(%dma_start3A_164 : memref<128xi32, #tpu.memory_space<vmem>>) semaphore(%arg12 : memref<!tpu.dma_semaphore, #tpu.memory_space<semaphore_mem>>)
      %dma_start3A_168 = arith.constant 768 : i32
      %dma_start3A_169 = arith.constant 0 : i32
      %dma_start3A_170 = tpu.memref_slice %arg10[%and3A_76, %dma_start3A_168, %dma_start3A_169] : memref<2x2048x16xf32, #tpu.memory_space<vmem>> -> memref<1x128x16xf32, #tpu.memory_space<vmem>>
      %dma_start3A_171 = tpu.memref_squeeze %dma_start3A_170 : memref<1x128x16xf32, #tpu.memory_space<vmem>> -> memref<128x16xf32, #tpu.memory_space<vmem>>
      %dma_start3A_172 = arith.constant 768 : i32
      %dma_start3A_173 = tpu.memref_slice %arg9[%dma_start3A_172] : memref<2048xi32, #tpu.memory_space<vmem>> -> memref<128xi32, #tpu.memory_space<vmem>>
      %dma_start3A_174 = arith.constant 0 : i32
      %dma_start3A_175 = arith.constant 0 : i32
      %dma_start3A_176 = tpu.memref_slice %arg6[%dma_start3A_174, %dma_start3A_175] : memref<2048x16xf32, #tpu.memory_space<vmem_shared>> -> memref<2048x16xf32, #tpu.memory_space<vmem_shared>>
      tpu.enqueue_indirect_dma source(%dma_start3A_176 : memref<2048x16xf32, #tpu.memory_space<vmem_shared>>) target(%dma_start3A_171 : memref<128x16xf32, #tpu.memory_space<vmem>>) offsets(%dma_start3A_173 : memref<128xi32, #tpu.memory_space<vmem>>) semaphore(%arg12 : memref<!tpu.dma_semaphore, #tpu.memory_space<semaphore_mem>>)
      %dma_start3A_177 = arith.constant 896 : i32
      %dma_start3A_178 = arith.constant 0 : i32
      %dma_start3A_179 = tpu.memref_slice %arg10[%and3A_76, %dma_start3A_177, %dma_start3A_178] : memref<2x2048x16xf32, #tpu.memory_space<vmem>> -> memref<1x128x16xf32, #tpu.memory_space<vmem>>
      %dma_start3A_180 = tpu.memref_squeeze %dma_start3A_179 : memref<1x128x16xf32, #tpu.memory_space<vmem>> -> memref<128x16xf32, #tpu.memory_space<vmem>>
      %dma_start3A_181 = arith.constant 896 : i32
      %dma_start3A_182 = tpu.memref_slice %arg9[%dma_start3A_181] : memref<2048xi32, #tpu.memory_space<vmem>> -> memref<128xi32, #tpu.memory_space<vmem>>
      %dma_start3A_183 = arith.constant 0 : i32
      %dma_start3A_184 = arith.constant 0 : i32
      %dma_start3A_185 = tpu.memref_slice %arg6[%dma_start3A_183, %dma_start3A_184] : memref<2048x16xf32, #tpu.memory_space<vmem_shared>> -> memref<2048x16xf32, #tpu.memory_space<vmem_shared>>
      tpu.enqueue_indirect_dma source(%dma_start3A_185 : memref<2048x16xf32, #tpu.memory_space<vmem_shared>>) target(%dma_start3A_180 : memref<128x16xf32, #tpu.memory_space<vmem>>) offsets(%dma_start3A_182 : memref<128xi32, #tpu.memory_space<vmem>>) semaphore(%arg12 : memref<!tpu.dma_semaphore, #tpu.memory_space<semaphore_mem>>)
      %scan3A_186 = arith.constant 0 : i32
      %scan3A_187 = arith.constant 64 : i32
      %scan3A_188 = arith.constant 32 : i32
      %scan3A_189 = arith.addi %scan3A_187, %scan3A_188 : i32
      %scan3A_190 = arith.constant 8 : i32
      scf.for %scan3A_437 = %scan3A_187 to %scan3A_189 step %scan3A_190  : i32 {
        %mul3A_438 = arith.constant 2 : i32
        %mul3A_439 = arith.muli %mul3A_438, %scan3A_437 : i32
        %add3A_440 = vector.broadcast %mul3A_439 : i32 to vector<16xi32>
        %add3A_441 = arith.addi %add3A_440, %shift_right_arithmetic3A_4 : vector<16xi32>
        %gather3A = arith.constant 0 : i32
        %gather3A_442 = arith.constant 0 : i32
        %gather3A_443 = tpu.memref_slice %arg8[%and3A_76, %gather3A, %gather3A_442] : memref<2x256x8xi32, #tpu.memory_space<vmem>> -> memref<1x256x8xi32, #tpu.memory_space<vmem>>
        %gather3A_444 = tpu.memref_squeeze %gather3A_443 : memref<1x256x8xi32, #tpu.memory_space<vmem>> -> memref<256x8xi32, #tpu.memory_space<vmem>>
        %gather3A_445 = tpu.vector_load_idx %gather3A_444[%add3A_441, %and3A_6] : memref<256x8xi32, #tpu.memory_space<vmem>>[vector<16xi32>, vector<16xi32>], vector<16xi32>,
        %add3A_446 = arith.addi %gather3A_445, %shift_left3A_8 : vector<16xi32>
        %mul3A_447 = arith.constant 16 : i32
        %mul3A_448 = arith.muli %scan3A_437, %mul3A_447 : i32
        %swap3A = arith.index_cast %mul3A_448 : i32 to index
        %swap3A_449 = tpu.vector_load %arg9[%swap3A] {strides = array<i32>} : memref<2048xi32, #tpu.memory_space<vmem>>, vector<16xi32>,
        tpu.vector_store %arg9[%swap3A], %add3A_446 {strides = array<i32>} : memref<2048xi32, #tpu.memory_space<vmem>>, vector<16xi32>,
        %scan3A_450 = arith.constant 1 : i32
        %scan3A_451 = arith.addi %scan3A_437, %scan3A_450 : i32
        %mul3A_452 = arith.constant 2 : i32
        %mul3A_453 = arith.muli %mul3A_452, %scan3A_451 : i32
        %add3A_454 = vector.broadcast %mul3A_453 : i32 to vector<16xi32>
        %add3A_455 = arith.addi %add3A_454, %shift_right_arithmetic3A_4 : vector<16xi32>
        %gather3A_456 = arith.constant 0 : i32
        %gather3A_457 = arith.constant 0 : i32
        %gather3A_458 = tpu.memref_slice %arg8[%and3A_76, %gather3A_456, %gather3A_457] : memref<2x256x8xi32, #tpu.memory_space<vmem>> -> memref<1x256x8xi32, #tpu.memory_space<vmem>>
        %gather3A_459 = tpu.memref_squeeze %gather3A_458 : memref<1x256x8xi32, #tpu.memory_space<vmem>> -> memref<256x8xi32, #tpu.memory_space<vmem>>
        %gather3A_460 = tpu.vector_load_idx %gather3A_459[%add3A_455, %and3A_6] : memref<256x8xi32, #tpu.memory_space<vmem>>[vector<16xi32>, vector<16xi32>], vector<16xi32>,
        %add3A_461 = arith.addi %gather3A_460, %shift_left3A_8 : vector<16xi32>
        %mul3A_462 = arith.constant 16 : i32
        %mul3A_463 = arith.muli %scan3A_451, %mul3A_462 : i32
        %swap3A_464 = arith.index_cast %mul3A_463 : i32 to index
        %swap3A_465 = tpu.vector_load %arg9[%swap3A_464] {strides = array<i32>} : memref<2048xi32, #tpu.memory_space<vmem>>, vector<16xi32>,
        tpu.vector_store %arg9[%swap3A_464], %add3A_461 {strides = array<i32>} : memref<2048xi32, #tpu.memory_space<vmem>>, vector<16xi32>,
        %scan3A_466 = arith.constant 2 : i32
        %scan3A_467 = arith.addi %scan3A_437, %scan3A_466 : i32
        %mul3A_468 = arith.constant 2 : i32
        %mul3A_469 = arith.muli %mul3A_468, %scan3A_467 : i32
        %add3A_470 = vector.broadcast %mul3A_469 : i32 to vector<16xi32>
        %add3A_471 = arith.addi %add3A_470, %shift_right_arithmetic3A_4 : vector<16xi32>
        %gather3A_472 = arith.constant 0 : i32
        %gather3A_473 = arith.constant 0 : i32
        %gather3A_474 = tpu.memref_slice %arg8[%and3A_76, %gather3A_472, %gather3A_473] : memref<2x256x8xi32, #tpu.memory_space<vmem>> -> memref<1x256x8xi32, #tpu.memory_space<vmem>>
        %gather3A_475 = tpu.memref_squeeze %gather3A_474 : memref<1x256x8xi32, #tpu.memory_space<vmem>> -> memref<256x8xi32, #tpu.memory_space<vmem>>
        %gather3A_476 = tpu.vector_load_idx %gather3A_475[%add3A_471, %and3A_6] : memref<256x8xi32, #tpu.memory_space<vmem>>[vector<16xi32>, vector<16xi32>], vector<16xi32>,
        %add3A_477 = arith.addi %gather3A_476, %shift_left3A_8 : vector<16xi32>
        %mul3A_478 = arith.constant 16 : i32
        %mul3A_479 = arith.muli %scan3A_467, %mul3A_478 : i32
        %swap3A_480 = arith.index_cast %mul3A_479 : i32 to index
        %swap3A_481 = tpu.vector_load %arg9[%swap3A_480] {strides = array<i32>} : memref<2048xi32, #tpu.memory_space<vmem>>, vector<16xi32>,
        tpu.vector_store %arg9[%swap3A_480], %add3A_477 {strides = array<i32>} : memref<2048xi32, #tpu.memory_space<vmem>>, vector<16xi32>,
        %scan3A_482 = arith.constant 3 : i32
        %scan3A_483 = arith.addi %scan3A_437, %scan3A_482 : i32
        %mul3A_484 = arith.constant 2 : i32
        %mul3A_485 = arith.muli %mul3A_484, %scan3A_483 : i32
        %add3A_486 = vector.broadcast %mul3A_485 : i32 to vector<16xi32>
        %add3A_487 = arith.addi %add3A_486, %shift_right_arithmetic3A_4 : vector<16xi32>
        %gather3A_488 = arith.constant 0 : i32
        %gather3A_489 = arith.constant 0 : i32
        %gather3A_490 = tpu.memref_slice %arg8[%and3A_76, %gather3A_488, %gather3A_489] : memref<2x256x8xi32, #tpu.memory_space<vmem>> -> memref<1x256x8xi32, #tpu.memory_space<vmem>>
        %gather3A_491 = tpu.memref_squeeze %gather3A_490 : memref<1x256x8xi32, #tpu.memory_space<vmem>> -> memref<256x8xi32, #tpu.memory_space<vmem>>
        %gather3A_492 = tpu.vector_load_idx %gather3A_491[%add3A_487, %and3A_6] : memref<256x8xi32, #tpu.memory_space<vmem>>[vector<16xi32>, vector<16xi32>], vector<16xi32>,
        %add3A_493 = arith.addi %gather3A_492, %shift_left3A_8 : vector<16xi32>
        %mul3A_494 = arith.constant 16 : i32
        %mul3A_495 = arith.muli %scan3A_483, %mul3A_494 : i32
        %swap3A_496 = arith.index_cast %mul3A_495 : i32 to index
        %swap3A_497 = tpu.vector_load %arg9[%swap3A_496] {strides = array<i32>} : memref<2048xi32, #tpu.memory_space<vmem>>, vector<16xi32>,
        tpu.vector_store %arg9[%swap3A_496], %add3A_493 {strides = array<i32>} : memref<2048xi32, #tpu.memory_space<vmem>>, vector<16xi32>,
        %scan3A_498 = arith.constant 4 : i32
        %scan3A_499 = arith.addi %scan3A_437, %scan3A_498 : i32
        %mul3A_500 = arith.constant 2 : i32
        %mul3A_501 = arith.muli %mul3A_500, %scan3A_499 : i32
        %add3A_502 = vector.broadcast %mul3A_501 : i32 to vector<16xi32>
        %add3A_503 = arith.addi %add3A_502, %shift_right_arithmetic3A_4 : vector<16xi32>
        %gather3A_504 = arith.constant 0 : i32
        %gather3A_505 = arith.constant 0 : i32
        %gather3A_506 = tpu.memref_slice %arg8[%and3A_76, %gather3A_504, %gather3A_505] : memref<2x256x8xi32, #tpu.memory_space<vmem>> -> memref<1x256x8xi32, #tpu.memory_space<vmem>>
        %gather3A_507 = tpu.memref_squeeze %gather3A_506 : memref<1x256x8xi32, #tpu.memory_space<vmem>> -> memref<256x8xi32, #tpu.memory_space<vmem>>
        %gather3A_508 = tpu.vector_load_idx %gather3A_507[%add3A_503, %and3A_6] : memref<256x8xi32, #tpu.memory_space<vmem>>[vector<16xi32>, vector<16xi32>], vector<16xi32>,
        %add3A_509 = arith.addi %gather3A_508, %shift_left3A_8 : vector<16xi32>
        %mul3A_510 = arith.constant 16 : i32
        %mul3A_511 = arith.muli %scan3A_499, %mul3A_510 : i32
        %swap3A_512 = arith.index_cast %mul3A_511 : i32 to index
        %swap3A_513 = tpu.vector_load %arg9[%swap3A_512] {strides = array<i32>} : memref<2048xi32, #tpu.memory_space<vmem>>, vector<16xi32>,
        tpu.vector_store %arg9[%swap3A_512], %add3A_509 {strides = array<i32>} : memref<2048xi32, #tpu.memory_space<vmem>>, vector<16xi32>,
        %scan3A_514 = arith.constant 5 : i32
        %scan3A_515 = arith.addi %scan3A_437, %scan3A_514 : i32
        %mul3A_516 = arith.constant 2 : i32
        %mul3A_517 = arith.muli %mul3A_516, %scan3A_515 : i32
        %add3A_518 = vector.broadcast %mul3A_517 : i32 to vector<16xi32>
        %add3A_519 = arith.addi %add3A_518, %shift_right_arithmetic3A_4 : vector<16xi32>
        %gather3A_520 = arith.constant 0 : i32
        %gather3A_521 = arith.constant 0 : i32
        %gather3A_522 = tpu.memref_slice %arg8[%and3A_76, %gather3A_520, %gather3A_521] : memref<2x256x8xi32, #tpu.memory_space<vmem>> -> memref<1x256x8xi32, #tpu.memory_space<vmem>>
        %gather3A_523 = tpu.memref_squeeze %gather3A_522 : memref<1x256x8xi32, #tpu.memory_space<vmem>> -> memref<256x8xi32, #tpu.memory_space<vmem>>
        %gather3A_524 = tpu.vector_load_idx %gather3A_523[%add3A_519, %and3A_6] : memref<256x8xi32, #tpu.memory_space<vmem>>[vector<16xi32>, vector<16xi32>], vector<16xi32>,
        %add3A_525 = arith.addi %gather3A_524, %shift_left3A_8 : vector<16xi32>
        %mul3A_526 = arith.constant 16 : i32
        %mul3A_527 = arith.muli %scan3A_515, %mul3A_526 : i32
        %swap3A_528 = arith.index_cast %mul3A_527 : i32 to index
        %swap3A_529 = tpu.vector_load %arg9[%swap3A_528] {strides = array<i32>} : memref<2048xi32, #tpu.memory_space<vmem>>, vector<16xi32>,
        tpu.vector_store %arg9[%swap3A_528], %add3A_525 {strides = array<i32>} : memref<2048xi32, #tpu.memory_space<vmem>>, vector<16xi32>,
        %scan3A_530 = arith.constant 6 : i32
        %scan3A_531 = arith.addi %scan3A_437, %scan3A_530 : i32
        %mul3A_532 = arith.constant 2 : i32
        %mul3A_533 = arith.muli %mul3A_532, %scan3A_531 : i32
        %add3A_534 = vector.broadcast %mul3A_533 : i32 to vector<16xi32>
        %add3A_535 = arith.addi %add3A_534, %shift_right_arithmetic3A_4 : vector<16xi32>
        %gather3A_536 = arith.constant 0 : i32
        %gather3A_537 = arith.constant 0 : i32
        %gather3A_538 = tpu.memref_slice %arg8[%and3A_76, %gather3A_536, %gather3A_537] : memref<2x256x8xi32, #tpu.memory_space<vmem>> -> memref<1x256x8xi32, #tpu.memory_space<vmem>>
        %gather3A_539 = tpu.memref_squeeze %gather3A_538 : memref<1x256x8xi32, #tpu.memory_space<vmem>> -> memref<256x8xi32, #tpu.memory_space<vmem>>
        %gather3A_540 = tpu.vector_load_idx %gather3A_539[%add3A_535, %and3A_6] : memref<256x8xi32, #tpu.memory_space<vmem>>[vector<16xi32>, vector<16xi32>], vector<16xi32>,
        %add3A_541 = arith.addi %gather3A_540, %shift_left3A_8 : vector<16xi32>
        %mul3A_542 = arith.constant 16 : i32
        %mul3A_543 = arith.muli %scan3A_531, %mul3A_542 : i32
        %swap3A_544 = arith.index_cast %mul3A_543 : i32 to index
        %swap3A_545 = tpu.vector_load %arg9[%swap3A_544] {strides = array<i32>} : memref<2048xi32, #tpu.memory_space<vmem>>, vector<16xi32>,
        tpu.vector_store %arg9[%swap3A_544], %add3A_541 {strides = array<i32>} : memref<2048xi32, #tpu.memory_space<vmem>>, vector<16xi32>,
        %scan3A_546 = arith.constant 7 : i32
        %scan3A_547 = arith.addi %scan3A_437, %scan3A_546 : i32
        %mul3A_548 = arith.constant 2 : i32
        %mul3A_549 = arith.muli %mul3A_548, %scan3A_547 : i32
        %add3A_550 = vector.broadcast %mul3A_549 : i32 to vector<16xi32>
        %add3A_551 = arith.addi %add3A_550, %shift_right_arithmetic3A_4 : vector<16xi32>
        %gather3A_552 = arith.constant 0 : i32
        %gather3A_553 = arith.constant 0 : i32
        %gather3A_554 = tpu.memref_slice %arg8[%and3A_76, %gather3A_552, %gather3A_553] : memref<2x256x8xi32, #tpu.memory_space<vmem>> -> memref<1x256x8xi32, #tpu.memory_space<vmem>>
        %gather3A_555 = tpu.memref_squeeze %gather3A_554 : memref<1x256x8xi32, #tpu.memory_space<vmem>> -> memref<256x8xi32, #tpu.memory_space<vmem>>
        %gather3A_556 = tpu.vector_load_idx %gather3A_555[%add3A_551, %and3A_6] : memref<256x8xi32, #tpu.memory_space<vmem>>[vector<16xi32>, vector<16xi32>], vector<16xi32>,
        %add3A_557 = arith.addi %gather3A_556, %shift_left3A_8 : vector<16xi32>
        %mul3A_558 = arith.constant 16 : i32
        %mul3A_559 = arith.muli %scan3A_547, %mul3A_558 : i32
        %swap3A_560 = arith.index_cast %mul3A_559 : i32 to index
        %swap3A_561 = tpu.vector_load %arg9[%swap3A_560] {strides = array<i32>} : memref<2048xi32, #tpu.memory_space<vmem>>, vector<16xi32>,
        tpu.vector_store %arg9[%swap3A_560], %add3A_557 {strides = array<i32>} : memref<2048xi32, #tpu.memory_space<vmem>>, vector<16xi32>,
      }
      %scan3A_191 = arith.constant 32 : i32
      %dma_start3A_192 = arith.constant 1024 : i32
      %dma_start3A_193 = arith.constant 0 : i32
      %dma_start3A_194 = tpu.memref_slice %arg10[%and3A_76, %dma_start3A_192, %dma_start3A_193] : memref<2x2048x16xf32, #tpu.memory_space<vmem>> -> memref<1x128x16xf32, #tpu.memory_space<vmem>>
      %dma_start3A_195 = tpu.memref_squeeze %dma_start3A_194 : memref<1x128x16xf32, #tpu.memory_space<vmem>> -> memref<128x16xf32, #tpu.memory_space<vmem>>
      %dma_start3A_196 = arith.constant 1024 : i32
      %dma_start3A_197 = tpu.memref_slice %arg9[%dma_start3A_196] : memref<2048xi32, #tpu.memory_space<vmem>> -> memref<128xi32, #tpu.memory_space<vmem>>
      %dma_start3A_198 = arith.constant 0 : i32
      %dma_start3A_199 = arith.constant 0 : i32
      %dma_start3A_200 = tpu.memref_slice %arg6[%dma_start3A_198, %dma_start3A_199] : memref<2048x16xf32, #tpu.memory_space<vmem_shared>> -> memref<2048x16xf32, #tpu.memory_space<vmem_shared>>
      tpu.enqueue_indirect_dma source(%dma_start3A_200 : memref<2048x16xf32, #tpu.memory_space<vmem_shared>>) target(%dma_start3A_195 : memref<128x16xf32, #tpu.memory_space<vmem>>) offsets(%dma_start3A_197 : memref<128xi32, #tpu.memory_space<vmem>>) semaphore(%arg12 : memref<!tpu.dma_semaphore, #tpu.memory_space<semaphore_mem>>)
      %dma_start3A_201 = arith.constant 1152 : i32
      %dma_start3A_202 = arith.constant 0 : i32
      %dma_start3A_203 = tpu.memref_slice %arg10[%and3A_76, %dma_start3A_201, %dma_start3A_202] : memref<2x2048x16xf32, #tpu.memory_space<vmem>> -> memref<1x128x16xf32, #tpu.memory_space<vmem>>
      %dma_start3A_204 = tpu.memref_squeeze %dma_start3A_203 : memref<1x128x16xf32, #tpu.memory_space<vmem>> -> memref<128x16xf32, #tpu.memory_space<vmem>>
      %dma_start3A_205 = arith.constant 1152 : i32
      %dma_start3A_206 = tpu.memref_slice %arg9[%dma_start3A_205] : memref<2048xi32, #tpu.memory_space<vmem>> -> memref<128xi32, #tpu.memory_space<vmem>>
      %dma_start3A_207 = arith.constant 0 : i32
      %dma_start3A_208 = arith.constant 0 : i32
      %dma_start3A_209 = tpu.memref_slice %arg6[%dma_start3A_207, %dma_start3A_208] : memref<2048x16xf32, #tpu.memory_space<vmem_shared>> -> memref<2048x16xf32, #tpu.memory_space<vmem_shared>>
      tpu.enqueue_indirect_dma source(%dma_start3A_209 : memref<2048x16xf32, #tpu.memory_space<vmem_shared>>) target(%dma_start3A_204 : memref<128x16xf32, #tpu.memory_space<vmem>>) offsets(%dma_start3A_206 : memref<128xi32, #tpu.memory_space<vmem>>) semaphore(%arg12 : memref<!tpu.dma_semaphore, #tpu.memory_space<semaphore_mem>>)
      %dma_start3A_210 = arith.constant 1280 : i32
      %dma_start3A_211 = arith.constant 0 : i32
      %dma_start3A_212 = tpu.memref_slice %arg10[%and3A_76, %dma_start3A_210, %dma_start3A_211] : memref<2x2048x16xf32, #tpu.memory_space<vmem>> -> memref<1x128x16xf32, #tpu.memory_space<vmem>>
      %dma_start3A_213 = tpu.memref_squeeze %dma_start3A_212 : memref<1x128x16xf32, #tpu.memory_space<vmem>> -> memref<128x16xf32, #tpu.memory_space<vmem>>
      %dma_start3A_214 = arith.constant 1280 : i32
      %dma_start3A_215 = tpu.memref_slice %arg9[%dma_start3A_214] : memref<2048xi32, #tpu.memory_space<vmem>> -> memref<128xi32, #tpu.memory_space<vmem>>
      %dma_start3A_216 = arith.constant 0 : i32
      %dma_start3A_217 = arith.constant 0 : i32
      %dma_start3A_218 = tpu.memref_slice %arg6[%dma_start3A_216, %dma_start3A_217] : memref<2048x16xf32, #tpu.memory_space<vmem_shared>> -> memref<2048x16xf32, #tpu.memory_space<vmem_shared>>
      tpu.enqueue_indirect_dma source(%dma_start3A_218 : memref<2048x16xf32, #tpu.memory_space<vmem_shared>>) target(%dma_start3A_213 : memref<128x16xf32, #tpu.memory_space<vmem>>) offsets(%dma_start3A_215 : memref<128xi32, #tpu.memory_space<vmem>>) semaphore(%arg12 : memref<!tpu.dma_semaphore, #tpu.memory_space<semaphore_mem>>)
      %dma_start3A_219 = arith.constant 1408 : i32
      %dma_start3A_220 = arith.constant 0 : i32
      %dma_start3A_221 = tpu.memref_slice %arg10[%and3A_76, %dma_start3A_219, %dma_start3A_220] : memref<2x2048x16xf32, #tpu.memory_space<vmem>> -> memref<1x128x16xf32, #tpu.memory_space<vmem>>
      %dma_start3A_222 = tpu.memref_squeeze %dma_start3A_221 : memref<1x128x16xf32, #tpu.memory_space<vmem>> -> memref<128x16xf32, #tpu.memory_space<vmem>>
      %dma_start3A_223 = arith.constant 1408 : i32
      %dma_start3A_224 = tpu.memref_slice %arg9[%dma_start3A_223] : memref<2048xi32, #tpu.memory_space<vmem>> -> memref<128xi32, #tpu.memory_space<vmem>>
      %dma_start3A_225 = arith.constant 0 : i32
      %dma_start3A_226 = arith.constant 0 : i32
      %dma_start3A_227 = tpu.memref_slice %arg6[%dma_start3A_225, %dma_start3A_226] : memref<2048x16xf32, #tpu.memory_space<vmem_shared>> -> memref<2048x16xf32, #tpu.memory_space<vmem_shared>>
      tpu.enqueue_indirect_dma source(%dma_start3A_227 : memref<2048x16xf32, #tpu.memory_space<vmem_shared>>) target(%dma_start3A_222 : memref<128x16xf32, #tpu.memory_space<vmem>>) offsets(%dma_start3A_224 : memref<128xi32, #tpu.memory_space<vmem>>) semaphore(%arg12 : memref<!tpu.dma_semaphore, #tpu.memory_space<semaphore_mem>>)
      %scan3A_228 = arith.constant 0 : i32
      %scan3A_229 = arith.constant 96 : i32
      %scan3A_230 = arith.constant 32 : i32
      %scan3A_231 = arith.addi %scan3A_229, %scan3A_230 : i32
      %scan3A_232 = arith.constant 8 : i32
      scf.for %scan3A_437 = %scan3A_229 to %scan3A_231 step %scan3A_232  : i32 {
        %mul3A_438 = arith.constant 2 : i32
        %mul3A_439 = arith.muli %mul3A_438, %scan3A_437 : i32
        %add3A_440 = vector.broadcast %mul3A_439 : i32 to vector<16xi32>
        %add3A_441 = arith.addi %add3A_440, %shift_right_arithmetic3A_4 : vector<16xi32>
        %gather3A = arith.constant 0 : i32
        %gather3A_442 = arith.constant 0 : i32
        %gather3A_443 = tpu.memref_slice %arg8[%and3A_76, %gather3A, %gather3A_442] : memref<2x256x8xi32, #tpu.memory_space<vmem>> -> memref<1x256x8xi32, #tpu.memory_space<vmem>>
        %gather3A_444 = tpu.memref_squeeze %gather3A_443 : memref<1x256x8xi32, #tpu.memory_space<vmem>> -> memref<256x8xi32, #tpu.memory_space<vmem>>
        %gather3A_445 = tpu.vector_load_idx %gather3A_444[%add3A_441, %and3A_6] : memref<256x8xi32, #tpu.memory_space<vmem>>[vector<16xi32>, vector<16xi32>], vector<16xi32>,
        %add3A_446 = arith.addi %gather3A_445, %shift_left3A_8 : vector<16xi32>
        %mul3A_447 = arith.constant 16 : i32
        %mul3A_448 = arith.muli %scan3A_437, %mul3A_447 : i32
        %swap3A = arith.index_cast %mul3A_448 : i32 to index
        %swap3A_449 = tpu.vector_load %arg9[%swap3A] {strides = array<i32>} : memref<2048xi32, #tpu.memory_space<vmem>>, vector<16xi32>,
        tpu.vector_store %arg9[%swap3A], %add3A_446 {strides = array<i32>} : memref<2048xi32, #tpu.memory_space<vmem>>, vector<16xi32>,
        %scan3A_450 = arith.constant 1 : i32
        %scan3A_451 = arith.addi %scan3A_437, %scan3A_450 : i32
        %mul3A_452 = arith.constant 2 : i32
        %mul3A_453 = arith.muli %mul3A_452, %scan3A_451 : i32
        %add3A_454 = vector.broadcast %mul3A_453 : i32 to vector<16xi32>
        %add3A_455 = arith.addi %add3A_454, %shift_right_arithmetic3A_4 : vector<16xi32>
        %gather3A_456 = arith.constant 0 : i32
        %gather3A_457 = arith.constant 0 : i32
        %gather3A_458 = tpu.memref_slice %arg8[%and3A_76, %gather3A_456, %gather3A_457] : memref<2x256x8xi32, #tpu.memory_space<vmem>> -> memref<1x256x8xi32, #tpu.memory_space<vmem>>
        %gather3A_459 = tpu.memref_squeeze %gather3A_458 : memref<1x256x8xi32, #tpu.memory_space<vmem>> -> memref<256x8xi32, #tpu.memory_space<vmem>>
        %gather3A_460 = tpu.vector_load_idx %gather3A_459[%add3A_455, %and3A_6] : memref<256x8xi32, #tpu.memory_space<vmem>>[vector<16xi32>, vector<16xi32>], vector<16xi32>,
        %add3A_461 = arith.addi %gather3A_460, %shift_left3A_8 : vector<16xi32>
        %mul3A_462 = arith.constant 16 : i32
        %mul3A_463 = arith.muli %scan3A_451, %mul3A_462 : i32
        %swap3A_464 = arith.index_cast %mul3A_463 : i32 to index
        %swap3A_465 = tpu.vector_load %arg9[%swap3A_464] {strides = array<i32>} : memref<2048xi32, #tpu.memory_space<vmem>>, vector<16xi32>,
        tpu.vector_store %arg9[%swap3A_464], %add3A_461 {strides = array<i32>} : memref<2048xi32, #tpu.memory_space<vmem>>, vector<16xi32>,
        %scan3A_466 = arith.constant 2 : i32
        %scan3A_467 = arith.addi %scan3A_437, %scan3A_466 : i32
        %mul3A_468 = arith.constant 2 : i32
        %mul3A_469 = arith.muli %mul3A_468, %scan3A_467 : i32
        %add3A_470 = vector.broadcast %mul3A_469 : i32 to vector<16xi32>
        %add3A_471 = arith.addi %add3A_470, %shift_right_arithmetic3A_4 : vector<16xi32>
        %gather3A_472 = arith.constant 0 : i32
        %gather3A_473 = arith.constant 0 : i32
        %gather3A_474 = tpu.memref_slice %arg8[%and3A_76, %gather3A_472, %gather3A_473] : memref<2x256x8xi32, #tpu.memory_space<vmem>> -> memref<1x256x8xi32, #tpu.memory_space<vmem>>
        %gather3A_475 = tpu.memref_squeeze %gather3A_474 : memref<1x256x8xi32, #tpu.memory_space<vmem>> -> memref<256x8xi32, #tpu.memory_space<vmem>>
        %gather3A_476 = tpu.vector_load_idx %gather3A_475[%add3A_471, %and3A_6] : memref<256x8xi32, #tpu.memory_space<vmem>>[vector<16xi32>, vector<16xi32>], vector<16xi32>,
        %add3A_477 = arith.addi %gather3A_476, %shift_left3A_8 : vector<16xi32>
        %mul3A_478 = arith.constant 16 : i32
        %mul3A_479 = arith.muli %scan3A_467, %mul3A_478 : i32
        %swap3A_480 = arith.index_cast %mul3A_479 : i32 to index
        %swap3A_481 = tpu.vector_load %arg9[%swap3A_480] {strides = array<i32>} : memref<2048xi32, #tpu.memory_space<vmem>>, vector<16xi32>,
        tpu.vector_store %arg9[%swap3A_480], %add3A_477 {strides = array<i32>} : memref<2048xi32, #tpu.memory_space<vmem>>, vector<16xi32>,
        %scan3A_482 = arith.constant 3 : i32
        %scan3A_483 = arith.addi %scan3A_437, %scan3A_482 : i32
        %mul3A_484 = arith.constant 2 : i32
        %mul3A_485 = arith.muli %mul3A_484, %scan3A_483 : i32
        %add3A_486 = vector.broadcast %mul3A_485 : i32 to vector<16xi32>
        %add3A_487 = arith.addi %add3A_486, %shift_right_arithmetic3A_4 : vector<16xi32>
        %gather3A_488 = arith.constant 0 : i32
        %gather3A_489 = arith.constant 0 : i32
        %gather3A_490 = tpu.memref_slice %arg8[%and3A_76, %gather3A_488, %gather3A_489] : memref<2x256x8xi32, #tpu.memory_space<vmem>> -> memref<1x256x8xi32, #tpu.memory_space<vmem>>
        %gather3A_491 = tpu.memref_squeeze %gather3A_490 : memref<1x256x8xi32, #tpu.memory_space<vmem>> -> memref<256x8xi32, #tpu.memory_space<vmem>>
        %gather3A_492 = tpu.vector_load_idx %gather3A_491[%add3A_487, %and3A_6] : memref<256x8xi32, #tpu.memory_space<vmem>>[vector<16xi32>, vector<16xi32>], vector<16xi32>,
        %add3A_493 = arith.addi %gather3A_492, %shift_left3A_8 : vector<16xi32>
        %mul3A_494 = arith.constant 16 : i32
        %mul3A_495 = arith.muli %scan3A_483, %mul3A_494 : i32
        %swap3A_496 = arith.index_cast %mul3A_495 : i32 to index
        %swap3A_497 = tpu.vector_load %arg9[%swap3A_496] {strides = array<i32>} : memref<2048xi32, #tpu.memory_space<vmem>>, vector<16xi32>,
        tpu.vector_store %arg9[%swap3A_496], %add3A_493 {strides = array<i32>} : memref<2048xi32, #tpu.memory_space<vmem>>, vector<16xi32>,
        %scan3A_498 = arith.constant 4 : i32
        %scan3A_499 = arith.addi %scan3A_437, %scan3A_498 : i32
        %mul3A_500 = arith.constant 2 : i32
        %mul3A_501 = arith.muli %mul3A_500, %scan3A_499 : i32
        %add3A_502 = vector.broadcast %mul3A_501 : i32 to vector<16xi32>
        %add3A_503 = arith.addi %add3A_502, %shift_right_arithmetic3A_4 : vector<16xi32>
        %gather3A_504 = arith.constant 0 : i32
        %gather3A_505 = arith.constant 0 : i32
        %gather3A_506 = tpu.memref_slice %arg8[%and3A_76, %gather3A_504, %gather3A_505] : memref<2x256x8xi32, #tpu.memory_space<vmem>> -> memref<1x256x8xi32, #tpu.memory_space<vmem>>
        %gather3A_507 = tpu.memref_squeeze %gather3A_506 : memref<1x256x8xi32, #tpu.memory_space<vmem>> -> memref<256x8xi32, #tpu.memory_space<vmem>>
        %gather3A_508 = tpu.vector_load_idx %gather3A_507[%add3A_503, %and3A_6] : memref<256x8xi32, #tpu.memory_space<vmem>>[vector<16xi32>, vector<16xi32>], vector<16xi32>,
        %add3A_509 = arith.addi %gather3A_508, %shift_left3A_8 : vector<16xi32>
        %mul3A_510 = arith.constant 16 : i32
        %mul3A_511 = arith.muli %scan3A_499, %mul3A_510 : i32
        %swap3A_512 = arith.index_cast %mul3A_511 : i32 to index
        %swap3A_513 = tpu.vector_load %arg9[%swap3A_512] {strides = array<i32>} : memref<2048xi32, #tpu.memory_space<vmem>>, vector<16xi32>,
        tpu.vector_store %arg9[%swap3A_512], %add3A_509 {strides = array<i32>} : memref<2048xi32, #tpu.memory_space<vmem>>, vector<16xi32>,
        %scan3A_514 = arith.constant 5 : i32
        %scan3A_515 = arith.addi %scan3A_437, %scan3A_514 : i32
        %mul3A_516 = arith.constant 2 : i32
        %mul3A_517 = arith.muli %mul3A_516, %scan3A_515 : i32
        %add3A_518 = vector.broadcast %mul3A_517 : i32 to vector<16xi32>
        %add3A_519 = arith.addi %add3A_518, %shift_right_arithmetic3A_4 : vector<16xi32>
        %gather3A_520 = arith.constant 0 : i32
        %gather3A_521 = arith.constant 0 : i32
        %gather3A_522 = tpu.memref_slice %arg8[%and3A_76, %gather3A_520, %gather3A_521] : memref<2x256x8xi32, #tpu.memory_space<vmem>> -> memref<1x256x8xi32, #tpu.memory_space<vmem>>
        %gather3A_523 = tpu.memref_squeeze %gather3A_522 : memref<1x256x8xi32, #tpu.memory_space<vmem>> -> memref<256x8xi32, #tpu.memory_space<vmem>>
        %gather3A_524 = tpu.vector_load_idx %gather3A_523[%add3A_519, %and3A_6] : memref<256x8xi32, #tpu.memory_space<vmem>>[vector<16xi32>, vector<16xi32>], vector<16xi32>,
        %add3A_525 = arith.addi %gather3A_524, %shift_left3A_8 : vector<16xi32>
        %mul3A_526 = arith.constant 16 : i32
        %mul3A_527 = arith.muli %scan3A_515, %mul3A_526 : i32
        %swap3A_528 = arith.index_cast %mul3A_527 : i32 to index
        %swap3A_529 = tpu.vector_load %arg9[%swap3A_528] {strides = array<i32>} : memref<2048xi32, #tpu.memory_space<vmem>>, vector<16xi32>,
        tpu.vector_store %arg9[%swap3A_528], %add3A_525 {strides = array<i32>} : memref<2048xi32, #tpu.memory_space<vmem>>, vector<16xi32>,
        %scan3A_530 = arith.constant 6 : i32
        %scan3A_531 = arith.addi %scan3A_437, %scan3A_530 : i32
        %mul3A_532 = arith.constant 2 : i32
        %mul3A_533 = arith.muli %mul3A_532, %scan3A_531 : i32
        %add3A_534 = vector.broadcast %mul3A_533 : i32 to vector<16xi32>
        %add3A_535 = arith.addi %add3A_534, %shift_right_arithmetic3A_4 : vector<16xi32>
        %gather3A_536 = arith.constant 0 : i32
        %gather3A_537 = arith.constant 0 : i32
        %gather3A_538 = tpu.memref_slice %arg8[%and3A_76, %gather3A_536, %gather3A_537] : memref<2x256x8xi32, #tpu.memory_space<vmem>> -> memref<1x256x8xi32, #tpu.memory_space<vmem>>
        %gather3A_539 = tpu.memref_squeeze %gather3A_538 : memref<1x256x8xi32, #tpu.memory_space<vmem>> -> memref<256x8xi32, #tpu.memory_space<vmem>>
        %gather3A_540 = tpu.vector_load_idx %gather3A_539[%add3A_535, %and3A_6] : memref<256x8xi32, #tpu.memory_space<vmem>>[vector<16xi32>, vector<16xi32>], vector<16xi32>,
        %add3A_541 = arith.addi %gather3A_540, %shift_left3A_8 : vector<16xi32>
        %mul3A_542 = arith.constant 16 : i32
        %mul3A_543 = arith.muli %scan3A_531, %mul3A_542 : i32
        %swap3A_544 = arith.index_cast %mul3A_543 : i32 to index
        %swap3A_545 = tpu.vector_load %arg9[%swap3A_544] {strides = array<i32>} : memref<2048xi32, #tpu.memory_space<vmem>>, vector<16xi32>,
        tpu.vector_store %arg9[%swap3A_544], %add3A_541 {strides = array<i32>} : memref<2048xi32, #tpu.memory_space<vmem>>, vector<16xi32>,
        %scan3A_546 = arith.constant 7 : i32
        %scan3A_547 = arith.addi %scan3A_437, %scan3A_546 : i32
        %mul3A_548 = arith.constant 2 : i32
        %mul3A_549 = arith.muli %mul3A_548, %scan3A_547 : i32
        %add3A_550 = vector.broadcast %mul3A_549 : i32 to vector<16xi32>
        %add3A_551 = arith.addi %add3A_550, %shift_right_arithmetic3A_4 : vector<16xi32>
        %gather3A_552 = arith.constant 0 : i32
        %gather3A_553 = arith.constant 0 : i32
        %gather3A_554 = tpu.memref_slice %arg8[%and3A_76, %gather3A_552, %gather3A_553] : memref<2x256x8xi32, #tpu.memory_space<vmem>> -> memref<1x256x8xi32, #tpu.memory_space<vmem>>
        %gather3A_555 = tpu.memref_squeeze %gather3A_554 : memref<1x256x8xi32, #tpu.memory_space<vmem>> -> memref<256x8xi32, #tpu.memory_space<vmem>>
        %gather3A_556 = tpu.vector_load_idx %gather3A_555[%add3A_551, %and3A_6] : memref<256x8xi32, #tpu.memory_space<vmem>>[vector<16xi32>, vector<16xi32>], vector<16xi32>,
        %add3A_557 = arith.addi %gather3A_556, %shift_left3A_8 : vector<16xi32>
        %mul3A_558 = arith.constant 16 : i32
        %mul3A_559 = arith.muli %scan3A_547, %mul3A_558 : i32
        %swap3A_560 = arith.index_cast %mul3A_559 : i32 to index
        %swap3A_561 = tpu.vector_load %arg9[%swap3A_560] {strides = array<i32>} : memref<2048xi32, #tpu.memory_space<vmem>>, vector<16xi32>,
        tpu.vector_store %arg9[%swap3A_560], %add3A_557 {strides = array<i32>} : memref<2048xi32, #tpu.memory_space<vmem>>, vector<16xi32>,
      }
      %scan3A_233 = arith.constant 32 : i32
      %dma_start3A_234 = arith.constant 1536 : i32
      %dma_start3A_235 = arith.constant 0 : i32
      %dma_start3A_236 = tpu.memref_slice %arg10[%and3A_76, %dma_start3A_234, %dma_start3A_235] : memref<2x2048x16xf32, #tpu.memory_space<vmem>> -> memref<1x128x16xf32, #tpu.memory_space<vmem>>
      %dma_start3A_237 = tpu.memref_squeeze %dma_start3A_236 : memref<1x128x16xf32, #tpu.memory_space<vmem>> -> memref<128x16xf32, #tpu.memory_space<vmem>>
      %dma_start3A_238 = arith.constant 1536 : i32
      %dma_start3A_239 = tpu.memref_slice %arg9[%dma_start3A_238] : memref<2048xi32, #tpu.memory_space<vmem>> -> memref<128xi32, #tpu.memory_space<vmem>>
      %dma_start3A_240 = arith.constant 0 : i32
      %dma_start3A_241 = arith.constant 0 : i32
      %dma_start3A_242 = tpu.memref_slice %arg6[%dma_start3A_240, %dma_start3A_241] : memref<2048x16xf32, #tpu.memory_space<vmem_shared>> -> memref<2048x16xf32, #tpu.memory_space<vmem_shared>>
      tpu.enqueue_indirect_dma source(%dma_start3A_242 : memref<2048x16xf32, #tpu.memory_space<vmem_shared>>) target(%dma_start3A_237 : memref<128x16xf32, #tpu.memory_space<vmem>>) offsets(%dma_start3A_239 : memref<128xi32, #tpu.memory_space<vmem>>) semaphore(%arg12 : memref<!tpu.dma_semaphore, #tpu.memory_space<semaphore_mem>>)
      %dma_start3A_243 = arith.constant 1664 : i32
      %dma_start3A_244 = arith.constant 0 : i32
      %dma_start3A_245 = tpu.memref_slice %arg10[%and3A_76, %dma_start3A_243, %dma_start3A_244] : memref<2x2048x16xf32, #tpu.memory_space<vmem>> -> memref<1x128x16xf32, #tpu.memory_space<vmem>>
      %dma_start3A_246 = tpu.memref_squeeze %dma_start3A_245 : memref<1x128x16xf32, #tpu.memory_space<vmem>> -> memref<128x16xf32, #tpu.memory_space<vmem>>
      %dma_start3A_247 = arith.constant 1664 : i32
      %dma_start3A_248 = tpu.memref_slice %arg9[%dma_start3A_247] : memref<2048xi32, #tpu.memory_space<vmem>> -> memref<128xi32, #tpu.memory_space<vmem>>
      %dma_start3A_249 = arith.constant 0 : i32
      %dma_start3A_250 = arith.constant 0 : i32
      %dma_start3A_251 = tpu.memref_slice %arg6[%dma_start3A_249, %dma_start3A_250] : memref<2048x16xf32, #tpu.memory_space<vmem_shared>> -> memref<2048x16xf32, #tpu.memory_space<vmem_shared>>
      tpu.enqueue_indirect_dma source(%dma_start3A_251 : memref<2048x16xf32, #tpu.memory_space<vmem_shared>>) target(%dma_start3A_246 : memref<128x16xf32, #tpu.memory_space<vmem>>) offsets(%dma_start3A_248 : memref<128xi32, #tpu.memory_space<vmem>>) semaphore(%arg12 : memref<!tpu.dma_semaphore, #tpu.memory_space<semaphore_mem>>)
      %dma_start3A_252 = arith.constant 1792 : i32
      %dma_start3A_253 = arith.constant 0 : i32
      %dma_start3A_254 = tpu.memref_slice %arg10[%and3A_76, %dma_start3A_252, %dma_start3A_253] : memref<2x2048x16xf32, #tpu.memory_space<vmem>> -> memref<1x128x16xf32, #tpu.memory_space<vmem>>
      %dma_start3A_255 = tpu.memref_squeeze %dma_start3A_254 : memref<1x128x16xf32, #tpu.memory_space<vmem>> -> memref<128x16xf32, #tpu.memory_space<vmem>>
      %dma_start3A_256 = arith.constant 1792 : i32
      %dma_start3A_257 = tpu.memref_slice %arg9[%dma_start3A_256] : memref<2048xi32, #tpu.memory_space<vmem>> -> memref<128xi32, #tpu.memory_space<vmem>>
      %dma_start3A_258 = arith.constant 0 : i32
      %dma_start3A_259 = arith.constant 0 : i32
      %dma_start3A_260 = tpu.memref_slice %arg6[%dma_start3A_258, %dma_start3A_259] : memref<2048x16xf32, #tpu.memory_space<vmem_shared>> -> memref<2048x16xf32, #tpu.memory_space<vmem_shared>>
      tpu.enqueue_indirect_dma source(%dma_start3A_260 : memref<2048x16xf32, #tpu.memory_space<vmem_shared>>) target(%dma_start3A_255 : memref<128x16xf32, #tpu.memory_space<vmem>>) offsets(%dma_start3A_257 : memref<128xi32, #tpu.memory_space<vmem>>) semaphore(%arg12 : memref<!tpu.dma_semaphore, #tpu.memory_space<semaphore_mem>>)
      %dma_start3A_261 = arith.constant 1920 : i32
      %dma_start3A_262 = arith.constant 0 : i32
      %dma_start3A_263 = tpu.memref_slice %arg10[%and3A_76, %dma_start3A_261, %dma_start3A_262] : memref<2x2048x16xf32, #tpu.memory_space<vmem>> -> memref<1x128x16xf32, #tpu.memory_space<vmem>>
      %dma_start3A_264 = tpu.memref_squeeze %dma_start3A_263 : memref<1x128x16xf32, #tpu.memory_space<vmem>> -> memref<128x16xf32, #tpu.memory_space<vmem>>
      %dma_start3A_265 = arith.constant 1920 : i32
      %dma_start3A_266 = tpu.memref_slice %arg9[%dma_start3A_265] : memref<2048xi32, #tpu.memory_space<vmem>> -> memref<128xi32, #tpu.memory_space<vmem>>
      %dma_start3A_267 = arith.constant 0 : i32
      %dma_start3A_268 = arith.constant 0 : i32
      %dma_start3A_269 = tpu.memref_slice %arg6[%dma_start3A_267, %dma_start3A_268] : memref<2048x16xf32, #tpu.memory_space<vmem_shared>> -> memref<2048x16xf32, #tpu.memory_space<vmem_shared>>
      tpu.enqueue_indirect_dma source(%dma_start3A_269 : memref<2048x16xf32, #tpu.memory_space<vmem_shared>>) target(%dma_start3A_264 : memref<128x16xf32, #tpu.memory_space<vmem>>) offsets(%dma_start3A_266 : memref<128xi32, #tpu.memory_space<vmem>>) semaphore(%arg12 : memref<!tpu.dma_semaphore, #tpu.memory_space<semaphore_mem>>)
      %add3A_270 = arith.constant 1 : i32
      %add3A_271 = arith.addi %scan3A_74, %add3A_270 : i32
      %lt3A = arith.constant 100 : i32
      %lt3A_272 = arith.cmpi slt, %add3A_271, %lt3A : i32
      %convert_element_type3A_273 = arith.extui %lt3A_272 : i1 to i32
      %cond3A_274 = arith.constant 0 : i32
      %cond3A_275 = arith.cmpi ne, %convert_element_type3A_273, %cond3A_274 : i32
      scf.if %cond3A_275 {
        %add3A_437 = arith.constant 1 : i32
        %add3A_438 = arith.addi %scan3A_74, %add3A_437 : i32
        %mul3A_439 = arith.constant 256 : i32
        %mul3A_440 = arith.muli %add3A_438, %mul3A_439 : i32
        %add3A_441 = arith.addi %mul3A_10, %mul3A_440 : i32
        "tpu.region"() ({
          %run_scoped3A_462 = tpu.sem_alloc : memref<!tpu.dma_semaphore, #tpu.memory_space<semaphore_mem>>
          %dma_start3A_463 = arith.constant 0 : i32
          %dma_start3A_464 = tpu.memref_slice %arg7[%sub3A_77, %dma_start3A_463] : memref<2x256xi32, #tpu.memory_space<vmem>> -> memref<1x256xi32, #tpu.memory_space<vmem>>
          %dma_start3A_465 = tpu.memref_squeeze %dma_start3A_464 : memref<1x256xi32, #tpu.memory_space<vmem>> -> memref<256xi32, #tpu.memory_space<vmem>>
          %dma_start3A_466 = tpu.memref_slice %arg2[%add3A_441] : memref<819200xi32, #tpu.memory_space<hbm>> -> memref<256xi32, #tpu.memory_space<hbm>>
          %dma_start3A_467 = arith.constant 0 : i32
          %dma_start3A_468 = tpu.memref_slice %arg7[%sub3A_77, %dma_start3A_467] : memref<2x256xi32, #tpu.memory_space<vmem>> -> memref<1x256xi32, #tpu.memory_space<vmem>>
          %dma_start3A_469 = tpu.memref_squeeze %dma_start3A_468 : memref<1x256xi32, #tpu.memory_space<vmem>> -> memref<256xi32, #tpu.memory_space<vmem>>
          %dma_start3A_470 = tpu.memref_slice %arg2[%add3A_441] : memref<819200xi32, #tpu.memory_space<hbm>> -> memref<256xi32, #tpu.memory_space<hbm>>
          tpu.enqueue_dma source(%dma_start3A_470 : memref<256xi32, #tpu.memory_space<hbm>>) target(%dma_start3A_469 : memref<256xi32, #tpu.memory_space<vmem>>) target_semaphore(%run_scoped3A_462 : memref<!tpu.dma_semaphore, #tpu.memory_space<semaphore_mem>>)
          %dma_wait3A_471 = arith.constant 0 : i32
          %dma_wait3A_472 = tpu.memref_slice %arg7[%sub3A_77, %dma_wait3A_471] : memref<2x256xi32, #tpu.memory_space<vmem>> -> memref<1x256xi32, #tpu.memory_space<vmem>>
          %dma_wait3A_473 = tpu.memref_squeeze %dma_wait3A_472 : memref<1x256xi32, #tpu.memory_space<vmem>> -> memref<256xi32, #tpu.memory_space<vmem>>
          %dma_wait3A_474 = tpu.memref_slice %arg2[%add3A_441] : memref<819200xi32, #tpu.memory_space<hbm>> -> memref<256xi32, #tpu.memory_space<hbm>>
          %dma_wait3A_475 = arith.constant 0 : i32
          %dma_wait3A_476 = tpu.memref_slice %arg7[%sub3A_77, %dma_wait3A_475] : memref<2x256xi32, #tpu.memory_space<vmem>> -> memref<1x256xi32, #tpu.memory_space<vmem>>
          %dma_wait3A_477 = tpu.memref_squeeze %dma_wait3A_476 : memref<1x256xi32, #tpu.memory_space<vmem>> -> memref<256xi32, #tpu.memory_space<vmem>>
          %dma_wait3A_478 = tpu.memref_slice %arg2[%add3A_441] : memref<819200xi32, #tpu.memory_space<hbm>> -> memref<256xi32, #tpu.memory_space<hbm>>
          tpu.wait_dma2 semaphore(%run_scoped3A_462 : memref<!tpu.dma_semaphore, #tpu.memory_space<semaphore_mem>>) src(%dma_wait3A_478 : memref<256xi32, #tpu.memory_space<hbm>>) dst(%dma_wait3A_477 : memref<256xi32, #tpu.memory_space<vmem>>)
          tpu.yield
        }) : () -> ()
        %dma_start3A_442 = arith.constant 0 : i32
        %dma_start3A_443 = arith.constant 0 : i32
        %dma_start3A_444 = tpu.memref_slice %arg8[%sub3A_77, %dma_start3A_442, %dma_start3A_443] : memref<2x256x8xi32, #tpu.memory_space<vmem>> -> memref<1x128x8xi32, #tpu.memory_space<vmem>>
        %dma_start3A_445 = tpu.memref_squeeze %dma_start3A_444 : memref<1x128x8xi32, #tpu.memory_space<vmem>> -> memref<128x8xi32, #tpu.memory_space<vmem>>
        %dma_start3A_446 = arith.constant 0 : i32
        %dma_start3A_447 = tpu.memref_slice %arg7[%sub3A_77, %dma_start3A_446] : memref<2x256xi32, #tpu.memory_space<vmem>> -> memref<1x128xi32, #tpu.memory_space<vmem>>
        %dma_start3A_448 = tpu.memref_squeeze %dma_start3A_447 : memref<1x128xi32, #tpu.memory_space<vmem>> -> memref<128xi32, #tpu.memory_space<vmem>>
        %dma_start3A_449 = arith.constant 0 : i32
        %dma_start3A_450 = arith.constant 0 : i32
        %dma_start3A_451 = tpu.memref_slice %arg4[%dma_start3A_449, %dma_start3A_450] : memref<1000000x8xi32, #tpu.memory_space<hbm>> -> memref<1000000x8xi32, #tpu.memory_space<hbm>>
        tpu.enqueue_indirect_dma source(%dma_start3A_451 : memref<1000000x8xi32, #tpu.memory_space<hbm>>) target(%dma_start3A_445 : memref<128x8xi32, #tpu.memory_space<vmem>>) offsets(%dma_start3A_448 : memref<128xi32, #tpu.memory_space<vmem>>) semaphore(%arg11 : memref<!tpu.dma_semaphore, #tpu.memory_space<semaphore_mem>>)
        %dma_start3A_452 = arith.constant 128 : i32
        %dma_start3A_453 = arith.constant 0 : i32
        %dma_start3A_454 = tpu.memref_slice %arg8[%sub3A_77, %dma_start3A_452, %dma_start3A_453] : memref<2x256x8xi32, #tpu.memory_space<vmem>> -> memref<1x128x8xi32, #tpu.memory_space<vmem>>
        %dma_start3A_455 = tpu.memref_squeeze %dma_start3A_454 : memref<1x128x8xi32, #tpu.memory_space<vmem>> -> memref<128x8xi32, #tpu.memory_space<vmem>>
        %dma_start3A_456 = arith.constant 128 : i32
        %dma_start3A_457 = tpu.memref_slice %arg7[%sub3A_77, %dma_start3A_456] : memref<2x256xi32, #tpu.memory_space<vmem>> -> memref<1x128xi32, #tpu.memory_space<vmem>>
        %dma_start3A_458 = tpu.memref_squeeze %dma_start3A_457 : memref<1x128xi32, #tpu.memory_space<vmem>> -> memref<128xi32, #tpu.memory_space<vmem>>
        %dma_start3A_459 = arith.constant 0 : i32
        %dma_start3A_460 = arith.constant 0 : i32
        %dma_start3A_461 = tpu.memref_slice %arg4[%dma_start3A_459, %dma_start3A_460] : memref<1000000x8xi32, #tpu.memory_space<hbm>> -> memref<1000000x8xi32, #tpu.memory_space<hbm>>
        tpu.enqueue_indirect_dma source(%dma_start3A_461 : memref<1000000x8xi32, #tpu.memory_space<hbm>>) target(%dma_start3A_455 : memref<128x8xi32, #tpu.memory_space<vmem>>) offsets(%dma_start3A_458 : memref<128xi32, #tpu.memory_space<vmem>>) semaphore(%arg11 : memref<!tpu.dma_semaphore, #tpu.memory_space<semaphore_mem>>)
      } else {
      }
      %dma_wait3A_276 = arith.constant 0 : i32
      %dma_wait3A_277 = arith.constant 0 : i32
      %dma_wait3A_278 = tpu.memref_slice %arg10[%and3A_76, %dma_wait3A_276, %dma_wait3A_277] : memref<2x2048x16xf32, #tpu.memory_space<vmem>> -> memref<1x128x16xf32, #tpu.memory_space<vmem>>
      %dma_wait3A_279 = tpu.memref_squeeze %dma_wait3A_278 : memref<1x128x16xf32, #tpu.memory_space<vmem>> -> memref<128x16xf32, #tpu.memory_space<vmem>>
      %dma_wait3A_280 = arith.constant 0 : i32
      %dma_wait3A_281 = tpu.memref_slice %arg9[%dma_wait3A_280] : memref<2048xi32, #tpu.memory_space<vmem>> -> memref<128xi32, #tpu.memory_space<vmem>>
      %dma_wait3A_282 = arith.constant 0 : i32
      %dma_wait3A_283 = arith.constant 0 : i32
      %dma_wait3A_284 = tpu.memref_slice %arg6[%dma_wait3A_282, %dma_wait3A_283] : memref<2048x16xf32, #tpu.memory_space<vmem_shared>> -> memref<2048x16xf32, #tpu.memory_space<vmem_shared>>
      tpu.wait_indirect_dma semaphore(%arg12 : memref<!tpu.dma_semaphore, #tpu.memory_space<semaphore_mem>>) src(%dma_wait3A_284 : memref<2048x16xf32, #tpu.memory_space<vmem_shared>>) dst(%dma_wait3A_279 : memref<128x16xf32, #tpu.memory_space<vmem>>)
      %dma_wait3A_285 = arith.constant 128 : i32
      %dma_wait3A_286 = arith.constant 0 : i32
      %dma_wait3A_287 = tpu.memref_slice %arg10[%and3A_76, %dma_wait3A_285, %dma_wait3A_286] : memref<2x2048x16xf32, #tpu.memory_space<vmem>> -> memref<1x128x16xf32, #tpu.memory_space<vmem>>
      %dma_wait3A_288 = tpu.memref_squeeze %dma_wait3A_287 : memref<1x128x16xf32, #tpu.memory_space<vmem>> -> memref<128x16xf32, #tpu.memory_space<vmem>>
      %dma_wait3A_289 = arith.constant 128 : i32
      %dma_wait3A_290 = tpu.memref_slice %arg9[%dma_wait3A_289] : memref<2048xi32, #tpu.memory_space<vmem>> -> memref<128xi32, #tpu.memory_space<vmem>>
      %dma_wait3A_291 = arith.constant 0 : i32
      %dma_wait3A_292 = arith.constant 0 : i32
      %dma_wait3A_293 = tpu.memref_slice %arg6[%dma_wait3A_291, %dma_wait3A_292] : memref<2048x16xf32, #tpu.memory_space<vmem_shared>> -> memref<2048x16xf32, #tpu.memory_space<vmem_shared>>
      tpu.wait_indirect_dma semaphore(%arg12 : memref<!tpu.dma_semaphore, #tpu.memory_space<semaphore_mem>>) src(%dma_wait3A_293 : memref<2048x16xf32, #tpu.memory_space<vmem_shared>>) dst(%dma_wait3A_288 : memref<128x16xf32, #tpu.memory_space<vmem>>)
      %dma_wait3A_294 = arith.constant 256 : i32
      %dma_wait3A_295 = arith.constant 0 : i32
      %dma_wait3A_296 = tpu.memref_slice %arg10[%and3A_76, %dma_wait3A_294, %dma_wait3A_295] : memref<2x2048x16xf32, #tpu.memory_space<vmem>> -> memref<1x128x16xf32, #tpu.memory_space<vmem>>
      %dma_wait3A_297 = tpu.memref_squeeze %dma_wait3A_296 : memref<1x128x16xf32, #tpu.memory_space<vmem>> -> memref<128x16xf32, #tpu.memory_space<vmem>>
      %dma_wait3A_298 = arith.constant 256 : i32
      %dma_wait3A_299 = tpu.memref_slice %arg9[%dma_wait3A_298] : memref<2048xi32, #tpu.memory_space<vmem>> -> memref<128xi32, #tpu.memory_space<vmem>>
      %dma_wait3A_300 = arith.constant 0 : i32
      %dma_wait3A_301 = arith.constant 0 : i32
      %dma_wait3A_302 = tpu.memref_slice %arg6[%dma_wait3A_300, %dma_wait3A_301] : memref<2048x16xf32, #tpu.memory_space<vmem_shared>> -> memref<2048x16xf32, #tpu.memory_space<vmem_shared>>
      tpu.wait_indirect_dma semaphore(%arg12 : memref<!tpu.dma_semaphore, #tpu.memory_space<semaphore_mem>>) src(%dma_wait3A_302 : memref<2048x16xf32, #tpu.memory_space<vmem_shared>>) dst(%dma_wait3A_297 : memref<128x16xf32, #tpu.memory_space<vmem>>)
      %dma_wait3A_303 = arith.constant 384 : i32
      %dma_wait3A_304 = arith.constant 0 : i32
      %dma_wait3A_305 = tpu.memref_slice %arg10[%and3A_76, %dma_wait3A_303, %dma_wait3A_304] : memref<2x2048x16xf32, #tpu.memory_space<vmem>> -> memref<1x128x16xf32, #tpu.memory_space<vmem>>
      %dma_wait3A_306 = tpu.memref_squeeze %dma_wait3A_305 : memref<1x128x16xf32, #tpu.memory_space<vmem>> -> memref<128x16xf32, #tpu.memory_space<vmem>>
      %dma_wait3A_307 = arith.constant 384 : i32
      %dma_wait3A_308 = tpu.memref_slice %arg9[%dma_wait3A_307] : memref<2048xi32, #tpu.memory_space<vmem>> -> memref<128xi32, #tpu.memory_space<vmem>>
      %dma_wait3A_309 = arith.constant 0 : i32
      %dma_wait3A_310 = arith.constant 0 : i32
      %dma_wait3A_311 = tpu.memref_slice %arg6[%dma_wait3A_309, %dma_wait3A_310] : memref<2048x16xf32, #tpu.memory_space<vmem_shared>> -> memref<2048x16xf32, #tpu.memory_space<vmem_shared>>
      tpu.wait_indirect_dma semaphore(%arg12 : memref<!tpu.dma_semaphore, #tpu.memory_space<semaphore_mem>>) src(%dma_wait3A_311 : memref<2048x16xf32, #tpu.memory_space<vmem_shared>>) dst(%dma_wait3A_306 : memref<128x16xf32, #tpu.memory_space<vmem>>)
      %dma_wait3A_312 = arith.constant 512 : i32
      %dma_wait3A_313 = arith.constant 0 : i32
      %dma_wait3A_314 = tpu.memref_slice %arg10[%and3A_76, %dma_wait3A_312, %dma_wait3A_313] : memref<2x2048x16xf32, #tpu.memory_space<vmem>> -> memref<1x128x16xf32, #tpu.memory_space<vmem>>
      %dma_wait3A_315 = tpu.memref_squeeze %dma_wait3A_314 : memref<1x128x16xf32, #tpu.memory_space<vmem>> -> memref<128x16xf32, #tpu.memory_space<vmem>>
      %dma_wait3A_316 = arith.constant 512 : i32
      %dma_wait3A_317 = tpu.memref_slice %arg9[%dma_wait3A_316] : memref<2048xi32, #tpu.memory_space<vmem>> -> memref<128xi32, #tpu.memory_space<vmem>>
      %dma_wait3A_318 = arith.constant 0 : i32
      %dma_wait3A_319 = arith.constant 0 : i32
      %dma_wait3A_320 = tpu.memref_slice %arg6[%dma_wait3A_318, %dma_wait3A_319] : memref<2048x16xf32, #tpu.memory_space<vmem_shared>> -> memref<2048x16xf32, #tpu.memory_space<vmem_shared>>
      tpu.wait_indirect_dma semaphore(%arg12 : memref<!tpu.dma_semaphore, #tpu.memory_space<semaphore_mem>>) src(%dma_wait3A_320 : memref<2048x16xf32, #tpu.memory_space<vmem_shared>>) dst(%dma_wait3A_315 : memref<128x16xf32, #tpu.memory_space<vmem>>)
      %dma_wait3A_321 = arith.constant 640 : i32
      %dma_wait3A_322 = arith.constant 0 : i32
      %dma_wait3A_323 = tpu.memref_slice %arg10[%and3A_76, %dma_wait3A_321, %dma_wait3A_322] : memref<2x2048x16xf32, #tpu.memory_space<vmem>> -> memref<1x128x16xf32, #tpu.memory_space<vmem>>
      %dma_wait3A_324 = tpu.memref_squeeze %dma_wait3A_323 : memref<1x128x16xf32, #tpu.memory_space<vmem>> -> memref<128x16xf32, #tpu.memory_space<vmem>>
      %dma_wait3A_325 = arith.constant 640 : i32
      %dma_wait3A_326 = tpu.memref_slice %arg9[%dma_wait3A_325] : memref<2048xi32, #tpu.memory_space<vmem>> -> memref<128xi32, #tpu.memory_space<vmem>>
      %dma_wait3A_327 = arith.constant 0 : i32
      %dma_wait3A_328 = arith.constant 0 : i32
      %dma_wait3A_329 = tpu.memref_slice %arg6[%dma_wait3A_327, %dma_wait3A_328] : memref<2048x16xf32, #tpu.memory_space<vmem_shared>> -> memref<2048x16xf32, #tpu.memory_space<vmem_shared>>
      tpu.wait_indirect_dma semaphore(%arg12 : memref<!tpu.dma_semaphore, #tpu.memory_space<semaphore_mem>>) src(%dma_wait3A_329 : memref<2048x16xf32, #tpu.memory_space<vmem_shared>>) dst(%dma_wait3A_324 : memref<128x16xf32, #tpu.memory_space<vmem>>)
      %dma_wait3A_330 = arith.constant 768 : i32
      %dma_wait3A_331 = arith.constant 0 : i32
      %dma_wait3A_332 = tpu.memref_slice %arg10[%and3A_76, %dma_wait3A_330, %dma_wait3A_331] : memref<2x2048x16xf32, #tpu.memory_space<vmem>> -> memref<1x128x16xf32, #tpu.memory_space<vmem>>
      %dma_wait3A_333 = tpu.memref_squeeze %dma_wait3A_332 : memref<1x128x16xf32, #tpu.memory_space<vmem>> -> memref<128x16xf32, #tpu.memory_space<vmem>>
      %dma_wait3A_334 = arith.constant 768 : i32
      %dma_wait3A_335 = tpu.memref_slice %arg9[%dma_wait3A_334] : memref<2048xi32, #tpu.memory_space<vmem>> -> memref<128xi32, #tpu.memory_space<vmem>>
      %dma_wait3A_336 = arith.constant 0 : i32
      %dma_wait3A_337 = arith.constant 0 : i32
      %dma_wait3A_338 = tpu.memref_slice %arg6[%dma_wait3A_336, %dma_wait3A_337] : memref<2048x16xf32, #tpu.memory_space<vmem_shared>> -> memref<2048x16xf32, #tpu.memory_space<vmem_shared>>
      tpu.wait_indirect_dma semaphore(%arg12 : memref<!tpu.dma_semaphore, #tpu.memory_space<semaphore_mem>>) src(%dma_wait3A_338 : memref<2048x16xf32, #tpu.memory_space<vmem_shared>>) dst(%dma_wait3A_333 : memref<128x16xf32, #tpu.memory_space<vmem>>)
      %dma_wait3A_339 = arith.constant 896 : i32
      %dma_wait3A_340 = arith.constant 0 : i32
      %dma_wait3A_341 = tpu.memref_slice %arg10[%and3A_76, %dma_wait3A_339, %dma_wait3A_340] : memref<2x2048x16xf32, #tpu.memory_space<vmem>> -> memref<1x128x16xf32, #tpu.memory_space<vmem>>
      %dma_wait3A_342 = tpu.memref_squeeze %dma_wait3A_341 : memref<1x128x16xf32, #tpu.memory_space<vmem>> -> memref<128x16xf32, #tpu.memory_space<vmem>>
      %dma_wait3A_343 = arith.constant 896 : i32
      %dma_wait3A_344 = tpu.memref_slice %arg9[%dma_wait3A_343] : memref<2048xi32, #tpu.memory_space<vmem>> -> memref<128xi32, #tpu.memory_space<vmem>>
      %dma_wait3A_345 = arith.constant 0 : i32
      %dma_wait3A_346 = arith.constant 0 : i32
      %dma_wait3A_347 = tpu.memref_slice %arg6[%dma_wait3A_345, %dma_wait3A_346] : memref<2048x16xf32, #tpu.memory_space<vmem_shared>> -> memref<2048x16xf32, #tpu.memory_space<vmem_shared>>
      tpu.wait_indirect_dma semaphore(%arg12 : memref<!tpu.dma_semaphore, #tpu.memory_space<semaphore_mem>>) src(%dma_wait3A_347 : memref<2048x16xf32, #tpu.memory_space<vmem_shared>>) dst(%dma_wait3A_342 : memref<128x16xf32, #tpu.memory_space<vmem>>)
      %dma_wait3A_348 = arith.constant 1024 : i32
      %dma_wait3A_349 = arith.constant 0 : i32
      %dma_wait3A_350 = tpu.memref_slice %arg10[%and3A_76, %dma_wait3A_348, %dma_wait3A_349] : memref<2x2048x16xf32, #tpu.memory_space<vmem>> -> memref<1x128x16xf32, #tpu.memory_space<vmem>>
      %dma_wait3A_351 = tpu.memref_squeeze %dma_wait3A_350 : memref<1x128x16xf32, #tpu.memory_space<vmem>> -> memref<128x16xf32, #tpu.memory_space<vmem>>
      %dma_wait3A_352 = arith.constant 1024 : i32
      %dma_wait3A_353 = tpu.memref_slice %arg9[%dma_wait3A_352] : memref<2048xi32, #tpu.memory_space<vmem>> -> memref<128xi32, #tpu.memory_space<vmem>>
      %dma_wait3A_354 = arith.constant 0 : i32
      %dma_wait3A_355 = arith.constant 0 : i32
      %dma_wait3A_356 = tpu.memref_slice %arg6[%dma_wait3A_354, %dma_wait3A_355] : memref<2048x16xf32, #tpu.memory_space<vmem_shared>> -> memref<2048x16xf32, #tpu.memory_space<vmem_shared>>
      tpu.wait_indirect_dma semaphore(%arg12 : memref<!tpu.dma_semaphore, #tpu.memory_space<semaphore_mem>>) src(%dma_wait3A_356 : memref<2048x16xf32, #tpu.memory_space<vmem_shared>>) dst(%dma_wait3A_351 : memref<128x16xf32, #tpu.memory_space<vmem>>)
      %dma_wait3A_357 = arith.constant 1152 : i32
      %dma_wait3A_358 = arith.constant 0 : i32
      %dma_wait3A_359 = tpu.memref_slice %arg10[%and3A_76, %dma_wait3A_357, %dma_wait3A_358] : memref<2x2048x16xf32, #tpu.memory_space<vmem>> -> memref<1x128x16xf32, #tpu.memory_space<vmem>>
      %dma_wait3A_360 = tpu.memref_squeeze %dma_wait3A_359 : memref<1x128x16xf32, #tpu.memory_space<vmem>> -> memref<128x16xf32, #tpu.memory_space<vmem>>
      %dma_wait3A_361 = arith.constant 1152 : i32
      %dma_wait3A_362 = tpu.memref_slice %arg9[%dma_wait3A_361] : memref<2048xi32, #tpu.memory_space<vmem>> -> memref<128xi32, #tpu.memory_space<vmem>>
      %dma_wait3A_363 = arith.constant 0 : i32
      %dma_wait3A_364 = arith.constant 0 : i32
      %dma_wait3A_365 = tpu.memref_slice %arg6[%dma_wait3A_363, %dma_wait3A_364] : memref<2048x16xf32, #tpu.memory_space<vmem_shared>> -> memref<2048x16xf32, #tpu.memory_space<vmem_shared>>
      tpu.wait_indirect_dma semaphore(%arg12 : memref<!tpu.dma_semaphore, #tpu.memory_space<semaphore_mem>>) src(%dma_wait3A_365 : memref<2048x16xf32, #tpu.memory_space<vmem_shared>>) dst(%dma_wait3A_360 : memref<128x16xf32, #tpu.memory_space<vmem>>)
      %dma_wait3A_366 = arith.constant 1280 : i32
      %dma_wait3A_367 = arith.constant 0 : i32
      %dma_wait3A_368 = tpu.memref_slice %arg10[%and3A_76, %dma_wait3A_366, %dma_wait3A_367] : memref<2x2048x16xf32, #tpu.memory_space<vmem>> -> memref<1x128x16xf32, #tpu.memory_space<vmem>>
      %dma_wait3A_369 = tpu.memref_squeeze %dma_wait3A_368 : memref<1x128x16xf32, #tpu.memory_space<vmem>> -> memref<128x16xf32, #tpu.memory_space<vmem>>
      %dma_wait3A_370 = arith.constant 1280 : i32
      %dma_wait3A_371 = tpu.memref_slice %arg9[%dma_wait3A_370] : memref<2048xi32, #tpu.memory_space<vmem>> -> memref<128xi32, #tpu.memory_space<vmem>>
      %dma_wait3A_372 = arith.constant 0 : i32
      %dma_wait3A_373 = arith.constant 0 : i32
      %dma_wait3A_374 = tpu.memref_slice %arg6[%dma_wait3A_372, %dma_wait3A_373] : memref<2048x16xf32, #tpu.memory_space<vmem_shared>> -> memref<2048x16xf32, #tpu.memory_space<vmem_shared>>
      tpu.wait_indirect_dma semaphore(%arg12 : memref<!tpu.dma_semaphore, #tpu.memory_space<semaphore_mem>>) src(%dma_wait3A_374 : memref<2048x16xf32, #tpu.memory_space<vmem_shared>>) dst(%dma_wait3A_369 : memref<128x16xf32, #tpu.memory_space<vmem>>)
      %dma_wait3A_375 = arith.constant 1408 : i32
      %dma_wait3A_376 = arith.constant 0 : i32
      %dma_wait3A_377 = tpu.memref_slice %arg10[%and3A_76, %dma_wait3A_375, %dma_wait3A_376] : memref<2x2048x16xf32, #tpu.memory_space<vmem>> -> memref<1x128x16xf32, #tpu.memory_space<vmem>>
      %dma_wait3A_378 = tpu.memref_squeeze %dma_wait3A_377 : memref<1x128x16xf32, #tpu.memory_space<vmem>> -> memref<128x16xf32, #tpu.memory_space<vmem>>
      %dma_wait3A_379 = arith.constant 1408 : i32
      %dma_wait3A_380 = tpu.memref_slice %arg9[%dma_wait3A_379] : memref<2048xi32, #tpu.memory_space<vmem>> -> memref<128xi32, #tpu.memory_space<vmem>>
      %dma_wait3A_381 = arith.constant 0 : i32
      %dma_wait3A_382 = arith.constant 0 : i32
      %dma_wait3A_383 = tpu.memref_slice %arg6[%dma_wait3A_381, %dma_wait3A_382] : memref<2048x16xf32, #tpu.memory_space<vmem_shared>> -> memref<2048x16xf32, #tpu.memory_space<vmem_shared>>
      tpu.wait_indirect_dma semaphore(%arg12 : memref<!tpu.dma_semaphore, #tpu.memory_space<semaphore_mem>>) src(%dma_wait3A_383 : memref<2048x16xf32, #tpu.memory_space<vmem_shared>>) dst(%dma_wait3A_378 : memref<128x16xf32, #tpu.memory_space<vmem>>)
      %dma_wait3A_384 = arith.constant 1536 : i32
      %dma_wait3A_385 = arith.constant 0 : i32
      %dma_wait3A_386 = tpu.memref_slice %arg10[%and3A_76, %dma_wait3A_384, %dma_wait3A_385] : memref<2x2048x16xf32, #tpu.memory_space<vmem>> -> memref<1x128x16xf32, #tpu.memory_space<vmem>>
      %dma_wait3A_387 = tpu.memref_squeeze %dma_wait3A_386 : memref<1x128x16xf32, #tpu.memory_space<vmem>> -> memref<128x16xf32, #tpu.memory_space<vmem>>
      %dma_wait3A_388 = arith.constant 1536 : i32
      %dma_wait3A_389 = tpu.memref_slice %arg9[%dma_wait3A_388] : memref<2048xi32, #tpu.memory_space<vmem>> -> memref<128xi32, #tpu.memory_space<vmem>>
      %dma_wait3A_390 = arith.constant 0 : i32
      %dma_wait3A_391 = arith.constant 0 : i32
      %dma_wait3A_392 = tpu.memref_slice %arg6[%dma_wait3A_390, %dma_wait3A_391] : memref<2048x16xf32, #tpu.memory_space<vmem_shared>> -> memref<2048x16xf32, #tpu.memory_space<vmem_shared>>
      tpu.wait_indirect_dma semaphore(%arg12 : memref<!tpu.dma_semaphore, #tpu.memory_space<semaphore_mem>>) src(%dma_wait3A_392 : memref<2048x16xf32, #tpu.memory_space<vmem_shared>>) dst(%dma_wait3A_387 : memref<128x16xf32, #tpu.memory_space<vmem>>)
      %dma_wait3A_393 = arith.constant 1664 : i32
      %dma_wait3A_394 = arith.constant 0 : i32
      %dma_wait3A_395 = tpu.memref_slice %arg10[%and3A_76, %dma_wait3A_393, %dma_wait3A_394] : memref<2x2048x16xf32, #tpu.memory_space<vmem>> -> memref<1x128x16xf32, #tpu.memory_space<vmem>>
      %dma_wait3A_396 = tpu.memref_squeeze %dma_wait3A_395 : memref<1x128x16xf32, #tpu.memory_space<vmem>> -> memref<128x16xf32, #tpu.memory_space<vmem>>
      %dma_wait3A_397 = arith.constant 1664 : i32
      %dma_wait3A_398 = tpu.memref_slice %arg9[%dma_wait3A_397] : memref<2048xi32, #tpu.memory_space<vmem>> -> memref<128xi32, #tpu.memory_space<vmem>>
      %dma_wait3A_399 = arith.constant 0 : i32
      %dma_wait3A_400 = arith.constant 0 : i32
      %dma_wait3A_401 = tpu.memref_slice %arg6[%dma_wait3A_399, %dma_wait3A_400] : memref<2048x16xf32, #tpu.memory_space<vmem_shared>> -> memref<2048x16xf32, #tpu.memory_space<vmem_shared>>
      tpu.wait_indirect_dma semaphore(%arg12 : memref<!tpu.dma_semaphore, #tpu.memory_space<semaphore_mem>>) src(%dma_wait3A_401 : memref<2048x16xf32, #tpu.memory_space<vmem_shared>>) dst(%dma_wait3A_396 : memref<128x16xf32, #tpu.memory_space<vmem>>)
      %dma_wait3A_402 = arith.constant 1792 : i32
      %dma_wait3A_403 = arith.constant 0 : i32
      %dma_wait3A_404 = tpu.memref_slice %arg10[%and3A_76, %dma_wait3A_402, %dma_wait3A_403] : memref<2x2048x16xf32, #tpu.memory_space<vmem>> -> memref<1x128x16xf32, #tpu.memory_space<vmem>>
      %dma_wait3A_405 = tpu.memref_squeeze %dma_wait3A_404 : memref<1x128x16xf32, #tpu.memory_space<vmem>> -> memref<128x16xf32, #tpu.memory_space<vmem>>
      %dma_wait3A_406 = arith.constant 1792 : i32
      %dma_wait3A_407 = tpu.memref_slice %arg9[%dma_wait3A_406] : memref<2048xi32, #tpu.memory_space<vmem>> -> memref<128xi32, #tpu.memory_space<vmem>>
      %dma_wait3A_408 = arith.constant 0 : i32
      %dma_wait3A_409 = arith.constant 0 : i32
      %dma_wait3A_410 = tpu.memref_slice %arg6[%dma_wait3A_408, %dma_wait3A_409] : memref<2048x16xf32, #tpu.memory_space<vmem_shared>> -> memref<2048x16xf32, #tpu.memory_space<vmem_shared>>
      tpu.wait_indirect_dma semaphore(%arg12 : memref<!tpu.dma_semaphore, #tpu.memory_space<semaphore_mem>>) src(%dma_wait3A_410 : memref<2048x16xf32, #tpu.memory_space<vmem_shared>>) dst(%dma_wait3A_405 : memref<128x16xf32, #tpu.memory_space<vmem>>)
      %dma_wait3A_411 = arith.constant 1920 : i32
      %dma_wait3A_412 = arith.constant 0 : i32
      %dma_wait3A_413 = tpu.memref_slice %arg10[%and3A_76, %dma_wait3A_411, %dma_wait3A_412] : memref<2x2048x16xf32, #tpu.memory_space<vmem>> -> memref<1x128x16xf32, #tpu.memory_space<vmem>>
      %dma_wait3A_414 = tpu.memref_squeeze %dma_wait3A_413 : memref<1x128x16xf32, #tpu.memory_space<vmem>> -> memref<128x16xf32, #tpu.memory_space<vmem>>
      %dma_wait3A_415 = arith.constant 1920 : i32
      %dma_wait3A_416 = tpu.memref_slice %arg9[%dma_wait3A_415] : memref<2048xi32, #tpu.memory_space<vmem>> -> memref<128xi32, #tpu.memory_space<vmem>>
      %dma_wait3A_417 = arith.constant 0 : i32
      %dma_wait3A_418 = arith.constant 0 : i32
      %dma_wait3A_419 = tpu.memref_slice %arg6[%dma_wait3A_417, %dma_wait3A_418] : memref<2048x16xf32, #tpu.memory_space<vmem_shared>> -> memref<2048x16xf32, #tpu.memory_space<vmem_shared>>
      tpu.wait_indirect_dma semaphore(%arg12 : memref<!tpu.dma_semaphore, #tpu.memory_space<semaphore_mem>>) src(%dma_wait3A_419 : memref<2048x16xf32, #tpu.memory_space<vmem_shared>>) dst(%dma_wait3A_414 : memref<128x16xf32, #tpu.memory_space<vmem>>)
      %mul3A_420 = arith.constant 256 : i32
      %mul3A_421 = arith.muli %scan3A_74, %mul3A_420 : i32
      %add3A_422 = arith.addi %mul3A_10, %mul3A_421 : i32
      %mul3A_423 = arith.constant 8 : i32
      %mul3A_424 = arith.muli %add3A_422, %mul3A_423 : i32
      %dma_start3A_425 = arith.constant 0 : i32
      %dma_start3A_426 = arith.constant 0 : i32
      %dma_start3A_427 = tpu.memref_slice %arg10[%and3A_76, %dma_start3A_425, %dma_start3A_426] : memref<2x2048x16xf32, #tpu.memory_space<vmem>> -> memref<1x2048x16xf32, #tpu.memory_space<vmem>>
      %dma_start3A_428 = tpu.memref_squeeze %dma_start3A_427 : memref<1x2048x16xf32, #tpu.memory_space<vmem>> -> memref<2048x16xf32, #tpu.memory_space<vmem>>
      %dma_start3A_429 = arith.constant 0 : i32
      %dma_start3A_430 = tpu.memref_slice %arg5[%mul3A_424, %dma_start3A_429] : memref<6553600x16xf32, #tpu.memory_space<hbm>> -> memref<2048x16xf32, #tpu.memory_space<hbm>>
      %dma_start3A_431 = arith.constant 0 : i32
      %dma_start3A_432 = tpu.memref_slice %arg5[%mul3A_424, %dma_start3A_431] : memref<6553600x16xf32, #tpu.memory_space<hbm>> -> memref<2048x16xf32, #tpu.memory_space<hbm>>
      %dma_start3A_433 = arith.constant 0 : i32
      %dma_start3A_434 = arith.constant 0 : i32
      %dma_start3A_435 = tpu.memref_slice %arg10[%and3A_76, %dma_start3A_433, %dma_start3A_434] : memref<2x2048x16xf32, #tpu.memory_space<vmem>> -> memref<1x2048x16xf32, #tpu.memory_space<vmem>>
      %dma_start3A_436 = tpu.memref_squeeze %dma_start3A_435 : memref<1x2048x16xf32, #tpu.memory_space<vmem>> -> memref<2048x16xf32, #tpu.memory_space<vmem>>
      tpu.enqueue_dma source(%dma_start3A_436 : memref<2048x16xf32, #tpu.memory_space<vmem>>) target(%dma_start3A_432 : memref<2048x16xf32, #tpu.memory_space<hbm>>) target_semaphore(%arg13 : memref<!tpu.dma_semaphore, #tpu.memory_space<semaphore_mem>>)
    }
    %scan3A_40 = arith.constant 100 : i32
    %add3A_41 = arith.constant 25088 : i32
    %add3A_42 = arith.addi %mul3A_10, %add3A_41 : i32
    %mul3A_43 = arith.constant 8 : i32
    %mul3A_44 = arith.muli %add3A_42, %mul3A_43 : i32
    %dma_wait3A = arith.constant 0 : i32
    %dma_wait3A_45 = arith.constant 0 : i32
    %dma_wait3A_46 = arith.constant 0 : i32
    %dma_wait3A_47 = tpu.memref_slice %arg10[%dma_wait3A, %dma_wait3A_45, %dma_wait3A_46] : memref<2x2048x16xf32, #tpu.memory_space<vmem>> -> memref<1x2048x16xf32, #tpu.memory_space<vmem>>
    %dma_wait3A_48 = tpu.memref_squeeze %dma_wait3A_47 : memref<1x2048x16xf32, #tpu.memory_space<vmem>> -> memref<2048x16xf32, #tpu.memory_space<vmem>>
    %dma_wait3A_49 = arith.constant 0 : i32
    %dma_wait3A_50 = tpu.memref_slice %arg5[%mul3A_44, %dma_wait3A_49] : memref<6553600x16xf32, #tpu.memory_space<hbm>> -> memref<2048x16xf32, #tpu.memory_space<hbm>>
    %dma_wait3A_51 = arith.constant 0 : i32
    %dma_wait3A_52 = tpu.memref_slice %arg5[%mul3A_44, %dma_wait3A_51] : memref<6553600x16xf32, #tpu.memory_space<hbm>> -> memref<2048x16xf32, #tpu.memory_space<hbm>>
    %dma_wait3A_53 = arith.constant 0 : i32
    %dma_wait3A_54 = arith.constant 0 : i32
    %dma_wait3A_55 = tpu.memref_slice %arg10[%dma_wait3A, %dma_wait3A_53, %dma_wait3A_54] : memref<2x2048x16xf32, #tpu.memory_space<vmem>> -> memref<1x2048x16xf32, #tpu.memory_space<vmem>>
    %dma_wait3A_56 = tpu.memref_squeeze %dma_wait3A_55 : memref<1x2048x16xf32, #tpu.memory_space<vmem>> -> memref<2048x16xf32, #tpu.memory_space<vmem>>
    tpu.wait_dma2 semaphore(%arg13 : memref<!tpu.dma_semaphore, #tpu.memory_space<semaphore_mem>>) src(%dma_wait3A_56 : memref<2048x16xf32, #tpu.memory_space<vmem>>) dst(%dma_wait3A_52 : memref<2048x16xf32, #tpu.memory_space<hbm>>)
    %add3A_57 = arith.constant 25344 : i32
    %add3A_58 = arith.addi %mul3A_10, %add3A_57 : i32
    %mul3A_59 = arith.constant 8 : i32
    %mul3A_60 = arith.muli %add3A_58, %mul3A_59 : i32
    %dma_wait3A_61 = arith.constant 1 : i32
    %dma_wait3A_62 = arith.constant 0 : i32
    %dma_wait3A_63 = arith.constant 0 : i32
    %dma_wait3A_64 = tpu.memref_slice %arg10[%dma_wait3A_61, %dma_wait3A_62, %dma_wait3A_63] : memref<2x2048x16xf32, #tpu.memory_space<vmem>> -> memref<1x2048x16xf32, #tpu.memory_space<vmem>>
    %dma_wait3A_65 = tpu.memref_squeeze %dma_wait3A_64 : memref<1x2048x16xf32, #tpu.memory_space<vmem>> -> memref<2048x16xf32, #tpu.memory_space<vmem>>
    %dma_wait3A_66 = arith.constant 0 : i32
    %dma_wait3A_67 = tpu.memref_slice %arg5[%mul3A_60, %dma_wait3A_66] : memref<6553600x16xf32, #tpu.memory_space<hbm>> -> memref<2048x16xf32, #tpu.memory_space<hbm>>
    %dma_wait3A_68 = arith.constant 0 : i32
    %dma_wait3A_69 = tpu.memref_slice %arg5[%mul3A_60, %dma_wait3A_68] : memref<6553600x16xf32, #tpu.memory_space<hbm>> -> memref<2048x16xf32, #tpu.memory_space<hbm>>
    %dma_wait3A_70 = arith.constant 0 : i32
    %dma_wait3A_71 = arith.constant 0 : i32
    %dma_wait3A_72 = tpu.memref_slice %arg10[%dma_wait3A_61, %dma_wait3A_70, %dma_wait3A_71] : memref<2x2048x16xf32, #tpu.memory_space<vmem>> -> memref<1x2048x16xf32, #tpu.memory_space<vmem>>
    %dma_wait3A_73 = tpu.memref_squeeze %dma_wait3A_72 : memref<1x2048x16xf32, #tpu.memory_space<vmem>> -> memref<2048x16xf32, #tpu.memory_space<vmem>>
    tpu.wait_dma2 semaphore(%arg13 : memref<!tpu.dma_semaphore, #tpu.memory_space<semaphore_mem>>) src(%dma_wait3A_73 : memref<2048x16xf32, #tpu.memory_space<vmem>>) dst(%dma_wait3A_69 : memref<2048x16xf32, #tpu.memory_space<hbm>>)
    return
  }
}

</mosaic_0001>

<sc_bundles>
// kernel: kernel.3.cloned.1.call-start
scs
__scs_entry_jumppad:
0x0: {  	(pc) =	sbr.rel $0x88, $3  }
0x1: {  	(tag) =	ssettag $0x0;
	lr =	simm.s32 $0x1  }
0x2: {  	[smem:$0x3F9E] =	sst lr;
	_ =	strace $0xD0000000  }
0x3: {  	_ = 	snop  }
0x4: {  	_ = 	snop  }
0x5: {  	_ = 	snop  }
0x6: {  	_ = 	snop  }
0x7: {  	_ = 	snop  }
__scs_overlays_trampoline_lowered:
0x8: {  	[smem:$0x3FAD] =	sst s0  }
0x9: {  	[smem:$0x3FAE] =	sst s1  }
0xa: {  	[smem:$0x3FAF] =	sst s2  }
0xb: {  	[smem:$0x3FB0] =	sst s3  }
0xc: {  	[smem:$0x3FB1] =	sst s4  }
0xd: {  	[smem:$0x3FB2] =	sst s5  }
0xe: {  	[smem:$0x3FB3] =	sst s6  }
0xf: {  	[smem:$0x3FB4] =	sst s7  }
0x10: {  	[smem:$0x3FB5] =	sst s8  }
0x11: {  	[smem:$0x3FB6] =	sst s9;
	s0 =	simm.s32 @!p0 $0x0  }
0x12: {  	s1 =	sld [smem:$0x3F9C];
	s0 =	simm.s32 @p0 $0x1  }
0x13: {  	[smem:$0x3FB7] =	sst s0;
	s0 =	simm.s32 @!p1 $0x0  }
0x14: {  	s2 =	sld [smem:$0x3F9B];
	s0 =	simm.s32 @p1 $0x1  }
0x15: {  	[smem:$0x3FB8] =	sst s0;
	s0 =	simm.s32 @!p2 $0x0  }
0x16: {  	s3 =	sld [smem:$0x3FDB];
	s0 =	simm.s32 @p2 $0x1  }
0x17: {  	s4 =	simm.s32 $0x1BF5;
	[smem:$0x3FBA] =	sst s0  }
0x18: {  	s0 =	sld [smem:$0x3F9D];
	_ =	swait.ge [sflag:s4], $0x0  }
0x19: {  	s7 =	sld [smem:$0x3F9E]  }
0x1a: {  	s8 =	sadd.s32 $0xFFFFE003, lr  }
0x1b: {  	s9 =	sadd.s32 $0xFFFFFEF7, lr;
	s5 =	simm.s32 $0xFFFFFFFF;
	p2 =	slt.u32 s8, $0xFFFFF086  }
0x1c: {  	p1 =	slt.u32 s9, $0xF7A;
	s5 =	simm.s32 @!p2 $0x0  }
0x1d: {  	s5 =	simm.s32 @p1 $0x1;
	p0 =	seq.s32 s7, s2  }
0x1e: {  	s7 =	smul.u32 @!p0 $0xF7A, s2;
	p2 =	seq.s32 @!p0 s5, $0x0  }
0x1f: {  	s9 =	smul.u32 $0xF7A, s1;
	s8 =	simm.s32 @!p0 $0x1BF5;
	p2 =	por !p2, p0  }
0x20: {  	[sflag:s8] =	ssyncset.s32 @!p0 $0xFFFFF086;
	s6 =	sadd.s32 @!p0 s3, s7;
	s7 =	simm.s32 @!p0 $0x108  }
0x21: {  	s3 =	sadd.s32 s3, s9;
	s6 =	sadd.s32 @!p0 $0x88, s6;
	s7 =	simm.s32 @p2 $0x1082  }
0x22: {  	[simem:s7], [sflag:s8] =	dma.local @!p0 [hbm:s6], $0xF7A  }
0x23: {  	s9 =	sor.u32 $0xD0000000, s2;
	s6 =	simm.s32 $0x108;
	_ =	swait.ge @!p0 [sflag:s8], $0x0  }
0x24: {  	s3 =	sadd.s32 $0x88, s3;
	s6 =	simm.s32 @!p1 $0x1082;
	[sflag:s4] =	ssyncset.s32 $0xFFFFF086  }
0x25: {  	[simem:s6], [sflag:s4] =	dma.local [hbm:s3], $0xF7A  }
0x26: {  	[smem:$0x3F9E] =	sst s1;
	(tag) =	ssettag s2;
	_ =	strace s9  }
0x27: {  	s1 =	sld [smem:$0x3FAE]  }
0x28: {  	s2 =	sld [smem:$0x3FAF]  }
0x29: {  	s4 =	sld [smem:$0x3FB1]  }
0x2a: {  	p0 =	seq.s32 s5, $0x0;
	s5 =	sld [smem:$0x3FB2]  }
0x2b: {  	s6 =	sld [smem:$0x3FB3]  }
0x2c: {  	s7 =	sld [smem:$0x3FB4]  }
0x2d: {  	s3 =	simm.s32 $0x108;
	s8 =	sld [smem:$0x3FB5]  }
0x2e: {  	s3 =	simm.s32 @!p0 $0x1082;
	s9 =	sld [smem:$0x3FB6]  }
0x2f: {  	lr =	sadd.s32 s0, s3;
	s0 =	sld [smem:$0x3FAD]  }
0x30: {  	s3 =	sld [smem:$0x3FB0]  }
0x31: {  	[smem:$0x3FB9] =	sst s10  }
0x32: {  	s10 =	sld [smem:$0x3FB7];
	_ =	sdelay $0x3  }
0x33: {  	p0 =	seq.s32 s10, $0x1;
	s10 =	sld [smem:$0x3FB9];
	_ =	sdelay $0x3  }
0x34: {  	[smem:$0x3FB9] =	sst s10  }
0x35: {  	s10 =	sld [smem:$0x3FB8];
	_ =	sdelay $0x3  }
0x36: {  	p1 =	seq.s32 s10, $0x1;
	s10 =	sld [smem:$0x3FB9];
	_ =	sdelay $0x3  }
0x37: {  	[smem:$0x3FB9] =	sst s10  }
0x38: {  	s10 =	sld [smem:$0x3FBA]  }
0x39: {  	_ = 	snop;
	(pc) =	sbr.ind lr, $3  }
0x3a: {  	_ = 	snop  }
0x3b: {  	_ = 	snop  }
0x3c: {  	p2 =	seq.s32 s10, $0x1;
	s10 =	sld [smem:$0x3FB9]  }
0x3d: {  	_ =	shalt  }
0x3e: {  	_ =	shalt  }
0x3f: {  	_ =	shalt  }
0x40: {  	_ =	shalt  }
0x41: {  	_ =	shalt  }
0x42: {  	_ =	shalt  }
0x43: {  	_ =	shalt  }
0x44: {  	_ =	shalt  }
0x45: {  	_ =	shalt  }
0x46: {  	_ =	shalt  }
0x47: {  	_ =	shalt  }
0x48: {  	_ =	shalt  }
0x49: {  	_ =	shalt  }
0x4a: {  	_ =	shalt  }
0x4b: {  	_ =	shalt  }
0x4c: {  	_ =	shalt  }
0x4d: {  	_ =	shalt  }
0x4e: {  	_ =	shalt  }
0x4f: {  	_ =	shalt  }
0x50: {  	_ =	shalt  }
0x51: {  	_ =	shalt  }
0x52: {  	_ =	shalt  }
0x53: {  	_ =	shalt  }
0x54: {  	_ =	shalt  }
0x55: {  	_ =	shalt  }
0x56: {  	_ =	shalt  }
0x57: {  	_ =	shalt  }
0x58: {  	_ =	shalt  }
0x59: {  	_ =	shalt  }
0x5a: {  	_ =	shalt  }
0x5b: {  	_ =	shalt  }
0x5c: {  	_ =	shalt  }
0x5d: {  	_ =	shalt  }
0x5e: {  	_ =	shalt  }
0x5f: {  	_ =	shalt  }
0x60: {  	_ =	shalt  }
0x61: {  	_ =	shalt  }
0x62: {  	_ =	shalt  }
0x63: {  	_ =	shalt  }
0x64: {  	_ =	shalt  }
0x65: {  	_ =	shalt  }
0x66: {  	_ =	shalt  }
0x67: {  	_ =	shalt  }
0x68: {  	_ =	shalt  }
0x69: {  	_ =	shalt  }
0x6a: {  	_ =	shalt  }
0x6b: {  	_ =	shalt  }
0x6c: {  	_ =	shalt  }
0x6d: {  	_ =	shalt  }
0x6e: {  	_ =	shalt  }
0x6f: {  	_ =	shalt  }
0x70: {  	_ =	shalt  }
0x71: {  	_ =	shalt  }
0x72: {  	_ =	shalt  }
0x73: {  	_ =	shalt  }
0x74: {  	_ =	shalt  }
0x75: {  	_ =	shalt  }
0x76: {  	_ =	shalt  }
0x77: {  	_ =	shalt  }
0x78: {  	_ =	shalt  }
0x79: {  	_ =	shalt  }
0x7a: {  	_ =	shalt  }
0x7b: {  	_ =	shalt  }
0x7c: {  	_ =	shalt  }
0x7d: {  	_ =	shalt  }
0x7e: {  	_ =	shalt  }
0x7f: {  	_ =	shalt  }
0x80: {  	_ =	shalt  }
0x81: {  	_ =	shalt  }
0x82: {  	_ =	shalt  }
0x83: {  	_ =	shalt  }
0x84: {  	_ =	shalt  }
0x85: {  	_ =	shalt  }
0x86: {  	_ =	shalt  }
0x87: {  	_ =	shalt  }
.Lfunc_end0:
.L_simem_size_0:
called_computation_lowered:
.L_overlay_start_0:
0x88: {  	s2 =	sld [smem:$0x3FD9]  }
0x89: {  	s3 =	sld [smem:$0x3FFE];
	_ =	sdelay $0x1  }
0x8a: {  	s1 =	srdreg.scid  }
0x8b: {  	s0 =	sand.u32 $0x1, s1  }
0x8c: {  	s17 =	sshll.u32 s0, $0xA;
	s2 =	sadd.s32 s3, s2  }
0x8d: {  	s2 =	sadd.s32 s2, s17  }
0x8e: {  	[smem:$0x3FC5] =	sst s2  }
0x8f: {  	_ = 	snop  }
0x90: {  	s2 =	sld [smem:$0x3FD0];
	(tm) =	ssettm $0x1  }
0x91: {  	s18 =	sld [smem:$0x3FFB];
	_ =	sdelay $0x3  }
0x92: {  	_ =	strace s18  }
0x93: {  	s3 =	sld [smem:$0x3FFC];
	_ =	sdelay $0x3  }
0x94: {  	_ =	strace s3  }
0x95: {  	s3 =	sld [smem:$0x3FFD];
	_ =	sdelay $0x3  }
0x96: {  	_ =	strace s3  }
0x97: {  	_ =	strace $0x8FFFFFFF  }
0x98: {  	s19 =	sld [smem:$0x3FDB];
	_ =	sdelay $0x1  }
0x99: {  	s4 =	simm.s32 $_scs_section_size  }
0x9a: {  	s5 =	simm.s32 $_size__tile_overlayer_lowered;
	s6 =	simm.s32 $_tile_overlayer_lowered  }
0x9b: {  	s22 =	simm.s32 $0x1BFF;
	s21 =	sshll.u32 s6, $0x1;
	s3 =	sadd.s32 s4, s19  }
0x9c: {  	s7 =	simm.s32 $0x0;
	s20 =	sshll.u32 s5, $0x1;
	s5 =	sadd.s32 s21, s3  }
0x9d: {  	[timem:s7], [sflag:s22] =	dma.local [hbm:s5], s20  }
0x9e: {  	_ =	swait.ge [sflag:s22], s20  }
0x9f: {  	s4 =	ssub.s32 $0x0, s20;
	[sflag:s22] =	ssyncset.done $0x0  }
0xa0: {  	[sflag:s22] =	ssyncadd.s32 s4;
	_ =	sdelay $0x1  }
0xa1: {  	s23 =	simm.s32 $0x1B8B  }
0xa2: {  	_ =	swait.ge [sflag:s23], $0x1  }
0xa3: {  	[sflag:s23] =	ssyncset.done $0x0  }
0xa4: {  	s25 =	simm.s32 $0x1B8E;
	s24 =	sld [smem:$0x3FFE];
	[sflag:s23] =	ssyncadd.s32 $0xFFFFFFFF  }
0xa5: {  	s26 =	simm.s32 $execute0_lowered;
	[smem:$0x3FD2] =	sst s25  }
0xa6: {  	s5 =	sshll.u32 s26, $0x1;
	_ =	strace $0x80000046;
	[dreg:$0x1] =	wrdreg $0xFFFFFFFF  }
0xa7: {  	s28 =	simm.s32 $_size_execute0_lowered;
	s3 =	sadd.s32 s3, s5;
	[dreg:$0x0] =	wrdreg $0x0  }
0xa8: {  	s5 =	sshll.u32 s28, $0x1;
	[dreg:$0x2] =	wrdreg s3  }
0xa9: {  	[dreg:$0x3] =	wrdreg s5  }
0xaa: {  	[dreg:$0x4] =	wrdreg $0xC0  }
0xab: {  	_ =	task [dreg:s7], $0x5FFFF  }
0xac: {  	[dreg:$0x1] =	wrdreg $0xFFFFFFFF  }
0xad: {  	[dreg:$0x0] =	wrdreg $0x60  }
0xae: {  	[dreg:$0x2] =	wrdreg s24  }
0xaf: {  	[dreg:$0x3] =	wrdreg s2  }
0xb0: {  	[dreg:$0x4] =	wrdreg $0x0  }
0xb1: {  	[dreg:$0x5] =	wrdreg $0x9  }
0xb2: {  	_ =	task.clear_ibuf [dreg:s7], $0x6FFFF;
	_ =	strace $0x90000046  }
0xb3: {  	s29 =	simm.s32 $0x9;
	_ =	strace $0x80000048  }
0xb4: {  	_ =	swait.ge [sflag:s29], $0x1  }
0xb5: {  	[sflag:s29] =	ssyncadd.s32 $0xFFFFFFFF  }
0xb6: {  	_ =	strace $0x90000048  }
0xb7: {  	_ =	sfence  }
0xb8: {  	s30 =	sld [smem:$0x0];
	_ =	sdelay $0x2  }
0xb9: {  	s31 =	sshll.u32 s1, $0xD;
	s1 =	sshrl.u32 s1, $0x2  }
0xba: {  	s3 =	sand.u32 $0x4000, s31;
	s1 =	sadd.s32 s1, s30  }
0xbb: {  	s0 =	sor.u32 s3, s0;
	s1 =	sshll.u32 s1, $0x11  }
0xbc: {  	s0 =	sor.u32 s1, s0  }
0xbd: {  	s0 =	sadd.s32 $0x8F2B, s0  }
0xbe: {  	[sflag:s0] =	ssyncadd.remote.s32 $0x1  }
0xbf: {  	_ =	sfence.sel $0xFFFF  }
0xc0: {  	[dreg:$0x0] =	wrdreg $0xFFFFFFFF;
	(pc) =	sbr.abs _section_cstart, $3  }
0xc1: {  	[dreg:$0x1] =	wrdreg $0xFFFFFFFF  }
0xc2: {  	_ =	task.clear_ibuf [dreg:s7], $0x2FFFF;
	_ =	strace $0x9FFFFFFF  }
0xc3: {  	(tm) =	ssettm $0x7FFFFFFF  }
tec
execute0_lowered:
.L_overlay_start_1:
0x0: {  	(tag) =	ssettag $0x1  }
0x1: {  	s0 =	rddreg [dreg:$0x0];
	s1 =	srdreg.scid  }
0x2: {  	s2 =	rddreg [dreg:$0x2];
	s6 =	stileid.u32;
	s3 =	simm.s32 $0x0  }
0x3: {  	s14 =	simm.s32 $0x80;
	s18 =	simm.s32 $0x1;
	s22 =	simm.s32 $0x1B80  }
0x4: {  	s23 =	simm.s32 $0x1C00;
	s24 =	simm.s32 $0x1C80;
	s28 =	simm.s32 $0x1E00  }
0x5: {  	s29 =	simm.s32 $0x1E80;
	s30 =	simm.s32 $0x1F00;
	s31 =	simm.s32 $0x1F80  }
0x6: {  	s15 =	simm.s32 $0x2080;
	s16 =	simm.s32 $0x2100;
	s17 =	simm.s32 $0x2180  }
0x7: {  	s12 =	simm.s32 $0x2;
	s1 =	sand.u32 $0x1, s1;
	[smem:$0x7FF] =	sst s3  }
0x8: {  	s5 =	sadd.s32 $0x800, s0;
	s7 =	sadd.s32 $0x19800, s0;
	p0 =	sne.s32 s6, $0x0  }
0x9: {  	s4 =	sshll.u32 s1, $0x4;
	_ =	strace $0x80000047;
	s1 =	ssub.s32 $0x2, s1  }
0xa: {  	[dreg:$0x4] =	wrdreg s7;
	s8 =	sor.u32 s6, s4;
	s9 =	sshrl.u32 s1, $0x1  }
0xb: {  	s7 =	sadd.s32 $0xF42C00, s0;
	s4 =	smul.u32 $0x6400, s8;
	s25 =	ssub.s32 s1, s9  }
0xc: {  	s9 =	smul.u32 $0x320000, s8;
	s8 =	simm.s32 $0x0;
	s0 =	smax.u32 s25, $0x1  }
0xd: {  	v0 =	vlaneseq.u32;
	s10 =	sshrl.u32 s4, $0x3;
	[dreg:$0x6] =	wrdreg s0;
	s0 =	sshrl.u32 @!p0 s2, $0x3  }
0xe: {  	v1 =	vshrl.u32 v0, $0x3;
	v0 =	vand.u32 $0x7, v0;
	s25 =	simm.s32 $0x1D00;
	s26 =	sadd.s32 s5, s10;
	[dreg:$0x7] =	wrdreg s0  }
0xf: {  	v1 =	vmul.u32 $0x8, v1;
	v2 =	vmul.u32 $0x100, v0;
	s0 =	simm.s32 $0x2000;
	[dreg:$0x5] =	wrdreg s26;
	s26 =	simm.s32 $0x1D80  }
.LBB2_1:
0x10: {  	[dreg:$0x8] =	wrdreg s8  }
0x11: {  	s6 =	rddreg [dreg:$0x4]  }
0x12: {  	s1 =	simm.s32 @!p0 $0x1C04;
	s8 =	rddreg [dreg:$0x7]  }
0x13: {  	[spmem:s8], [sflag:s1] =	dma.local @!p0 [hbm:s6], $0x1000  }
0x14: {  	s1 =	simm.s32 @!p0 $0x4  }
0x15: {  	_ =	swait.ge @!p0 [sflag:s1], $0x1000  }
0x16: {  	[sflag:s1] =	ssyncset.done @!p0 $0x0  }
0x17: {  	[sflag:s1] =	ssyncadd.s32 @!p0 $0xFFFFF000  }
0x18: {  	[bflag:$0x0] =	sbarrier.arrive $0xFFFF  }
0x19: {  	s11 =	simm.s32 $0x800;
	s13 =	simm.s32 $0x4;
	s10 =	rddreg [dreg:$0x5]  }
0x1a: {  	[tilespmem:s11], [sflag:$0x4] =	stream.linear.gather [hbm4b:s10+s3], $0x100, $0x38;
	[tilespmem:$0x12200] =	vst v63  }
0x1b: {  	_ =	swait.ge [sflag:s13], $0x100  }
0x1c: {  	[sflag:s13] =	ssyncset.done $0x0  }
0x1d: {  	s19 =	simm.s32 $0xA00;
	[sflag:s13] =	ssyncadd.s32 $0xFFFFFF00  }
0x1e: {  	[tilespmem:s19], [sflag:$0x1] =	stream.indirect.gather [hbm4b:s7+s14], $0x8, s11, s14, $0xb8;
	[tilespmem:$0x12200] =	vst v63  }
0x1f: {  	s20 =	simm.s32 $0x880;
	s21 =	simm.s32 $0xE00;
	s10 =	simm.s32 $0x0  }
0x20: {  	[tilespmem:s21], [sflag:$0x1] =	stream.indirect.gather [hbm4b:s7+s14], $0x8, s20, s14, $0xb8;
	[tilespmem:$0x12200] =	vst v63  }
.LBB2_2:
0x21: {  	_ =	swait.ge [sflag:s18], $0x400;
	s1 =	simm.s32 $0x0  }
0x22: {  	[sflag:s18] =	ssyncset.done $0x0;
	v3 =	vmov s1  }
0x23: {  	[sflag:s18] =	ssyncadd.s32 $0xFFFFFC00;
	v3 =	vshll.u32 v3, $0x3  }
0x24: {  	_ =	swait.ge [sflag:s18], $0x400;
	v3 =	vor.u32 v1, v3  }
0x25: {  	p1 =	slt.u32 s10, $0x2;
	[sflag:s18] =	ssyncset.done $0x0;
	v3 =	vor.u32 v0, v3  }
0x26: {  	s1 =	simm.s32 @!p1 $0x3;
	[sflag:s18] =	ssyncadd.s32 $0xFFFFFC00  }
0x27: {  	s6 =	sand.u32 $0x1, s10;
	_ =	swait.ge @!p1 [sflag:s1], $0x8000  }
0x28: {  	s13 =	simm.s32 $0x2;
	s8 =	sshll.u32 s6, $0xB;
	[sflag:s1] =	ssyncset.done @!p1 $0x0  }
0x29: {  	v4 =	vmov s13;
	s11 =	sadd.s32 $0xA00, s8;
	[sflag:s1] =	ssyncadd.s32 @!p1 $0xFFFF8000  }
0x2a: {  	v4 =	vshll.u32 v4, $0x3;
	v3 =	vld.idx.msk [tilespmem:v3+s11+$0x0], $0xffff  }
0x2b: {  	v4 =	vor.u32 v1, v4  }
0x2c: {  	v4 =	vor.u32 v0, v4;
	_ =	sdelay $0x2  }
0x2d: {  	s20 =	simm.s32 $0x4;
	s1 =	simm.s32 $0x1A40;
	v3 =	vadd.s32 v2, v3  }
0x2e: {  	[tilespmem:s1+$0xFFFFFFC0] =	vst v3;
	v3 =	vmov s20  }
0x2f: {  	v4 =	vld.idx.msk [tilespmem:v4+s11+$0x0], $0xffff;
	v3 =	vshll.u32 v3, $0x3  }
0x30: {  	v3 =	vor.u32 v1, v3  }
0x31: {  	v3 =	vor.u32 v0, v3;
	_ =	sdelay $0x2  }
0x32: {  	s21 =	simm.s32 $0x6;
	v4 =	vadd.s32 v2, v4  }
0x33: {  	[tilespmem:s1+$0xFFFFFFD0] =	vst v4;
	v4 =	vmov s21  }
0x34: {  	v3 =	vld.idx.msk [tilespmem:v3+s11+$0x0], $0xffff;
	v4 =	vshll.u32 v4, $0x3  }
0x35: {  	v4 =	vor.u32 v1, v4  }
0x36: {  	v4 =	vor.u32 v0, v4;
	_ =	sdelay $0x2  }
0x37: {  	s13 =	simm.s32 $0x8;
	v3 =	vadd.s32 v2, v3  }
0x38: {  	[tilespmem:s1+$0xFFFFFFE0] =	vst v3;
	v3 =	vmov s13  }
0x39: {  	v4 =	vld.idx.msk [tilespmem:v4+s11+$0x0], $0xffff;
	v3 =	vshll.u32 v3, $0x3  }
0x3a: {  	v3 =	vor.u32 v1, v3  }
0x3b: {  	v3 =	vor.u32 v0, v3;
	_ =	sdelay $0x2  }
0x3c: {  	s19 =	simm.s32 $0xA;
	v4 =	vadd.s32 v2, v4  }
0x3d: {  	[tilespmem:s1+$0xFFFFFFF0] =	vst v4;
	v4 =	vmov s19  }
0x3e: {  	v3 =	vld.idx.msk [tilespmem:v3+s11+$0x0], $0xffff;
	v4 =	vshll.u32 v4, $0x3  }
0x3f: {  	v4 =	vor.u32 v1, v4  }
0x40: {  	v4 =	vor.u32 v0, v4;
	_ =	sdelay $0x2  }
0x41: {  	s20 =	simm.s32 $0xC;
	v3 =	vadd.s32 v2, v3  }
0x42: {  	[tilespmem:s1+$0x0] =	vst v3;
	v3 =	vmov s20  }
0x43: {  	v4 =	vld.idx.msk [tilespmem:v4+s11+$0x0], $0xffff;
	v3 =	vshll.u32 v3, $0x3  }
0x44: {  	v3 =	vor.u32 v1, v3  }
0x45: {  	v3 =	vor.u32 v0, v3;
	_ =	sdelay $0x2  }
0x46: {  	v4 =	vadd.s32 v2, v4  }
0x47: {  	[tilespmem:s1+$0x10] =	vst v4  }
0x48: {  	v3 =	vld.idx.msk [tilespmem:v3+s11+$0x0], $0xffff  }
0x49: {  	s21 =	simm.s32 $0xE  }
0x4a: {  	v4 =	vmov s21  }
0x4b: {  	v4 =	vshll.u32 v4, $0x3  }
0x4c: {  	v4 =	vor.u32 v1, v4  }
0x4d: {  	v5 =	vadd.s32 v2, v3;
	v3 =	vor.u32 v0, v4;
	_ =	sdelay $0x3  }
0x4e: {  	s8 =	simm.s32 $0x0;
	s13 =	sxor.u32 $0x1, s6;
	s19 =	simm.s32 $0x10;
	[tilespmem:s1+$0x20] =	vst v5  }
.LBB2_3:
0x4f: {  	v4 =	vmov s19;
	s8 =	sadd.s32 $0x8, s8;
	v3 =	vld.idx.msk [tilespmem:v3+s11+$0x0], $0xffff  }
0x50: {  	v4 =	vshll.u32 v4, $0x3;
	p1 =	slt.u32 s8, $0x18  }
0x51: {  	v4 =	vor.u32 v1, v4  }
0x52: {  	v4 =	vor.u32 v0, v4;
	_ =	sdelay $0x2  }
0x53: {  	v3 =	vadd.s32 v2, v3  }
0x54: {  	s20 =	sadd.s32 $0x2, s19;
	[tilespmem:s1+$0x30] =	vst v3  }
0x55: {  	v3 =	vld.idx.msk [tilespmem:v4+s11+$0x0], $0xffff;
	v4 =	vmov s20  }
0x56: {  	v4 =	vshll.u32 v4, $0x3  }
0x57: {  	v4 =	vor.u32 v1, v4  }
0x58: {  	v4 =	vor.u32 v0, v4;
	_ =	sdelay $0x2  }
0x59: {  	s1 =	sadd.s32 $0x80, s1;
	v3 =	vadd.s32 v2, v3  }
0x5a: {  	s20 =	sadd.s32 $0x4, s19;
	[tilespmem:s1+$0xFFFFFFC0] =	vst v3  }
0x5b: {  	v3 =	vld.idx.msk [tilespmem:v4+s11+$0x0], $0xffff;
	v4 =	vmov s20  }
0x5c: {  	v4 =	vshll.u32 v4, $0x3  }
0x5d: {  	v4 =	vor.u32 v1, v4  }
0x5e: {  	v4 =	vor.u32 v0, v4;
	_ =	sdelay $0x2  }
0x5f: {  	v3 =	vadd.s32 v2, v3  }
0x60: {  	s20 =	sadd.s32 $0x6, s19;
	[tilespmem:s1+$0xFFFFFFD0] =	vst v3  }
0x61: {  	v3 =	vld.idx.msk [tilespmem:v4+s11+$0x0], $0xffff;
	v4 =	vmov s20  }
0x62: {  	v4 =	vshll.u32 v4, $0x3  }
0x63: {  	v4 =	vor.u32 v1, v4  }
0x64: {  	v4 =	vor.u32 v0, v4;
	_ =	sdelay $0x2  }
0x65: {  	v3 =	vadd.s32 v2, v3  }
0x66: {  	s20 =	sadd.s32 $0x8, s19;
	[tilespmem:s1+$0xFFFFFFE0] =	vst v3  }
0x67: {  	v3 =	vld.idx.msk [tilespmem:v4+s11+$0x0], $0xffff;
	v4 =	vmov s20  }
0x68: {  	v4 =	vshll.u32 v4, $0x3  }
0x69: {  	v4 =	vor.u32 v1, v4  }
0x6a: {  	v4 =	vor.u32 v0, v4;
	_ =	sdelay $0x2  }
0x6b: {  	v3 =	vadd.s32 v2, v3  }
0x6c: {  	s20 =	sadd.s32 $0xA, s19;
	[tilespmem:s1+$0xFFFFFFF0] =	vst v3  }
0x6d: {  	v3 =	vld.idx.msk [tilespmem:v4+s11+$0x0], $0xffff;
	v4 =	vmov s20  }
0x6e: {  	v4 =	vshll.u32 v4, $0x3  }
0x6f: {  	v4 =	vor.u32 v1, v4  }
0x70: {  	v4 =	vor.u32 v0, v4;
	_ =	sdelay $0x2  }
0x71: {  	v3 =	vadd.s32 v2, v3  }
0x72: {  	s20 =	sadd.s32 $0xC, s19;
	[tilespmem:s1+$0x0] =	vst v3  }
0x73: {  	v3 =	vld.idx.msk [tilespmem:v4+s11+$0x0], $0xffff;
	v4 =	vmov s20  }
0x74: {  	v4 =	vshll.u32 v4, $0x3  }
0x75: {  	v4 =	vor.u32 v1, v4  }
0x76: {  	v4 =	vor.u32 v0, v4;
	_ =	sdelay $0x2  }
0x77: {  	v3 =	vadd.s32 v2, v3  }
0x78: {  	s20 =	sadd.s32 $0xE, s19;
	[tilespmem:s1+$0x10] =	vst v3  }
0x79: {  	v3 =	vmov s20;
	v4 =	vld.idx.msk [tilespmem:v4+s11+$0x0], $0xffff  }
0x7a: {  	v3 =	vshll.u32 v3, $0x3  }
0x7b: {  	v3 =	vor.u32 v1, v3  }
.Ltmp0:
0x7c: {  	v3 =	vor.u32 v0, v3;
	(pc) =	sbr.rel @p1 .LBB2_3-.Ltmp0, $3  }
0x7d: {  	_ =	sdelay $0x1  }
0x7e: {  	v4 =	vadd.s32 v2, v4  }
0x7f: {  	s19 =	sadd.s32 $0x10, s19;
	[tilespmem:s1+$0x20] =	vst v4  }
0x80: {  	_ =	sdelay $0x3  }
0x81: {  	v3 =	vld.idx.msk [tilespmem:v3+s11+$0x0], $0xffff;
	_ =	sdelay $0x4  }
0x82: {  	s8 =	sshll.u32 s6, $0xF;
	s19 =	simm.s32 $0x40;
	v3 =	vadd.s32 v2, v3  }
0x83: {  	s6 =	sor.u32 $0x2200, s8;
	[tilespmem:s1+$0x30] =	vst v3;
	v3 =	vmov s19;
	s19 =	simm.s32 $0x1A00  }
0x84: {  	[tilespmem:s6], [sflag:$0x2] =	stream.indirect.gather [spmem:s2], $0x10, s19, s14, $0xb8;
	v3 =	vshll.u32 v3, $0x3;
	[tilespmem:$0x12200] =	vst v63  }
0x85: {  	s21 =	simm.s32 $0x1A80;
	s20 =	sor.u32 $0x2A00, s8;
	v3 =	vor.u32 v1, v3  }
0x86: {  	[tilespmem:s20], [sflag:$0x2] =	stream.indirect.gather [spmem:s2], $0x10, s21, s14, $0xb8;
	v3 =	vor.u32 v0, v3;
	[tilespmem:$0x12200] =	vst v63  }
0x87: {  	s20 =	sor.u32 $0x3200, s8;
	s21 =	simm.s32 $0x1B00  }
0x88: {  	[tilespmem:s20], [sflag:$0x2] =	stream.indirect.gather [spmem:s2], $0x10, s21, s14, $0xb8;
	[tilespmem:$0x12200] =	vst v63  }
0x89: {  	s20 =	sor.u32 $0x3A00, s8;
	s21 =	simm.s32 $0x42  }
0x8a: {  	v4 =	vmov s21;
	[tilespmem:s20], [sflag:$0x2] =	stream.indirect.gather [spmem:s2], $0x10, s22, s14, $0xb8;
	[tilespmem:$0x12200] =	vst v63  }
0x8b: {  	v4 =	vshll.u32 v4, $0x3;
	v3 =	vld.idx.msk [tilespmem:v3+s11+$0x0], $0xffff  }
0x8c: {  	v4 =	vor.u32 v1, v4  }
0x8d: {  	v4 =	vor.u32 v0, v4;
	_ =	sdelay $0x2  }
0x8e: {  	s1 =	simm.s32 $0x1C70;
	s20 =	simm.s32 $0x44;
	v3 =	vadd.s32 v2, v3  }
0x8f: {  	[tilespmem:s1+$0xFFFFFF90] =	vst v3;
	v3 =	vmov s20  }
0x90: {  	v4 =	vld.idx.msk [tilespmem:v4+s11+$0x0], $0xffff;
	v3 =	vshll.u32 v3, $0x3  }
0x91: {  	v3 =	vor.u32 v1, v3  }
0x92: {  	v3 =	vor.u32 v0, v3;
	_ =	sdelay $0x2  }
0x93: {  	s21 =	simm.s32 $0x46;
	v4 =	vadd.s32 v2, v4  }
0x94: {  	[tilespmem:s1+$0xFFFFFFA0] =	vst v4;
	v4 =	vmov s21  }
0x95: {  	v3 =	vld.idx.msk [tilespmem:v3+s11+$0x0], $0xffff;
	v4 =	vshll.u32 v4, $0x3  }
0x96: {  	v4 =	vor.u32 v1, v4  }
0x97: {  	v4 =	vor.u32 v0, v4;
	_ =	sdelay $0x2  }
0x98: {  	s20 =	simm.s32 $0x48;
	v3 =	vadd.s32 v2, v3  }
0x99: {  	[tilespmem:s1+$0xFFFFFFB0] =	vst v3;
	v3 =	vmov s20  }
0x9a: {  	v4 =	vld.idx.msk [tilespmem:v4+s11+$0x0], $0xffff;
	v3 =	vshll.u32 v3, $0x3  }
0x9b: {  	v3 =	vor.u32 v1, v3  }
0x9c: {  	v3 =	vor.u32 v0, v3;
	_ =	sdelay $0x2  }
0x9d: {  	s21 =	simm.s32 $0x4A;
	v4 =	vadd.s32 v2, v4  }
0x9e: {  	[tilespmem:s1+$0xFFFFFFC0] =	vst v4;
	v4 =	vmov s21  }
0x9f: {  	v3 =	vld.idx.msk [tilespmem:v3+s11+$0x0], $0xffff;
	v4 =	vshll.u32 v4, $0x3  }
0xa0: {  	v4 =	vor.u32 v1, v4  }
0xa1: {  	v4 =	vor.u32 v0, v4;
	_ =	sdelay $0x2  }
0xa2: {  	s20 =	simm.s32 $0x4C;
	v3 =	vadd.s32 v2, v3  }
0xa3: {  	[tilespmem:s1+$0xFFFFFFD0] =	vst v3;
	v3 =	vmov s20  }
0xa4: {  	v4 =	vld.idx.msk [tilespmem:v4+s11+$0x0], $0xffff;
	v3 =	vshll.u32 v3, $0x3  }
0xa5: {  	v3 =	vor.u32 v1, v3  }
0xa6: {  	v3 =	vor.u32 v0, v3;
	_ =	sdelay $0x2  }
0xa7: {  	v4 =	vadd.s32 v2, v4  }
0xa8: {  	[tilespmem:s1+$0xFFFFFFE0] =	vst v4  }
0xa9: {  	v3 =	vld.idx.msk [tilespmem:v3+s11+$0x0], $0xffff  }
0xaa: {  	s21 =	simm.s32 $0x4E  }
0xab: {  	v4 =	vmov s21  }
0xac: {  	v4 =	vshll.u32 v4, $0x3  }
0xad: {  	v4 =	vor.u32 v1, v4  }
0xae: {  	v5 =	vadd.s32 v2, v3;
	v3 =	vor.u32 v0, v4;
	_ =	sdelay $0x3  }
0xaf: {  	s19 =	simm.s32 $0x20;
	s20 =	simm.s32 $0x50;
	[tilespmem:s1+$0xFFFFFFF0] =	vst v5  }
.LBB2_5:
0xb0: {  	v4 =	vmov s20;
	s19 =	sadd.s32 $0x8, s19;
	v3 =	vld.idx.msk [tilespmem:v3+s11+$0x0], $0xffff  }
0xb1: {  	v4 =	vshll.u32 v4, $0x3;
	p1 =	slt.u32 s19, $0x38  }
0xb2: {  	v4 =	vor.u32 v1, v4  }
0xb3: {  	v4 =	vor.u32 v0, v4;
	_ =	sdelay $0x2  }
0xb4: {  	v3 =	vadd.s32 v2, v3  }
0xb5: {  	s21 =	sadd.s32 $0x2, s20;
	[tilespmem:s1+$0x0] =	vst v3  }
0xb6: {  	v3 =	vld.idx.msk [tilespmem:v4+s11+$0x0], $0xffff;
	v4 =	vmov s21  }
0xb7: {  	v4 =	vshll.u32 v4, $0x3  }
0xb8: {  	v4 =	vor.u32 v1, v4  }
0xb9: {  	v4 =	vor.u32 v0, v4;
	_ =	sdelay $0x2  }
0xba: {  	s1 =	sadd.s32 $0x80, s1;
	v3 =	vadd.s32 v2, v3  }
0xbb: {  	s21 =	sadd.s32 $0x4, s20;
	[tilespmem:s1+$0xFFFFFF90] =	vst v3  }
0xbc: {  	v3 =	vld.idx.msk [tilespmem:v4+s11+$0x0], $0xffff;
	v4 =	vmov s21  }
0xbd: {  	v4 =	vshll.u32 v4, $0x3  }
0xbe: {  	v4 =	vor.u32 v1, v4  }
0xbf: {  	v4 =	vor.u32 v0, v4;
	_ =	sdelay $0x2  }
0xc0: {  	v3 =	vadd.s32 v2, v3  }
0xc1: {  	s21 =	sadd.s32 $0x6, s20;
	[tilespmem:s1+$0xFFFFFFA0] =	vst v3  }
0xc2: {  	v3 =	vld.idx.msk [tilespmem:v4+s11+$0x0], $0xffff;
	v4 =	vmov s21  }
0xc3: {  	v4 =	vshll.u32 v4, $0x3  }
0xc4: {  	v4 =	vor.u32 v1, v4  }
0xc5: {  	v4 =	vor.u32 v0, v4;
	_ =	sdelay $0x2  }
0xc6: {  	v3 =	vadd.s32 v2, v3  }
0xc7: {  	s21 =	sadd.s32 $0x8, s20;
	[tilespmem:s1+$0xFFFFFFB0] =	vst v3  }
0xc8: {  	v3 =	vld.idx.msk [tilespmem:v4+s11+$0x0], $0xffff;
	v4 =	vmov s21  }
0xc9: {  	v4 =	vshll.u32 v4, $0x3  }
0xca: {  	v4 =	vor.u32 v1, v4  }
0xcb: {  	v4 =	vor.u32 v0, v4;
	_ =	sdelay $0x2  }
0xcc: {  	v3 =	vadd.s32 v2, v3  }
0xcd: {  	s21 =	sadd.s32 $0xA, s20;
	[tilespmem:s1+$0xFFFFFFC0] =	vst v3  }
0xce: {  	v3 =	vld.idx.msk [tilespmem:v4+s11+$0x0], $0xffff;
	v4 =	vmov s21  }
0xcf: {  	v4 =	vshll.u32 v4, $0x3  }
0xd0: {  	v4 =	vor.u32 v1, v4  }
0xd1: {  	v4 =	vor.u32 v0, v4;
	_ =	sdelay $0x2  }
0xd2: {  	v3 =	vadd.s32 v2, v3  }
0xd3: {  	s21 =	sadd.s32 $0xC, s20;
	[tilespmem:s1+$0xFFFFFFD0] =	vst v3  }
0xd4: {  	v3 =	vld.idx.msk [tilespmem:v4+s11+$0x0], $0xffff;
	v4 =	vmov s21  }
0xd5: {  	v4 =	vshll.u32 v4, $0x3  }
0xd6: {  	v4 =	vor.u32 v1, v4  }
0xd7: {  	v4 =	vor.u32 v0, v4;
	_ =	sdelay $0x2  }
0xd8: {  	v3 =	vadd.s32 v2, v3  }
0xd9: {  	s21 =	sadd.s32 $0xE, s20;
	[tilespmem:s1+$0xFFFFFFE0] =	vst v3  }
0xda: {  	v3 =	vmov s21;
	v4 =	vld.idx.msk [tilespmem:v4+s11+$0x0], $0xffff  }
0xdb: {  	v3 =	vshll.u32 v3, $0x3  }
0xdc: {  	v3 =	vor.u32 v1, v3  }
.Ltmp1:
0xdd: {  	v3 =	vor.u32 v0, v3;
	(pc) =	sbr.rel @p1 .LBB2_5-.Ltmp1, $3  }
0xde: {  	_ =	sdelay $0x1  }
0xdf: {  	v4 =	vadd.s32 v2, v4  }
0xe0: {  	s20 =	sadd.s32 $0x10, s20;
	[tilespmem:s1+$0xFFFFFFF0] =	vst v4  }
0xe1: {  	_ =	sdelay $0x3  }
0xe2: {  	v3 =	vld.idx.msk [tilespmem:v3+s11+$0x0], $0xffff;
	_ =	sdelay $0x4  }
0xe3: {  	s19 =	simm.s32 $0x80;
	v3 =	vadd.s32 v2, v3  }
0xe4: {  	s20 =	sadd.s32 $0x4200, s8;
	[tilespmem:s1+$0x0] =	vst v3;
	v3 =	vmov s19  }
0xe5: {  	[tilespmem:s20], [sflag:$0x2] =	stream.indirect.gather [spmem:s2], $0x10, s23, s19, $0xb8;
	v3 =	vshll.u32 v3, $0x3;
	[tilespmem:$0x12200] =	vst v63  }
0xe6: {  	s21 =	sadd.s32 $0x4A00, s8;
	v3 =	vor.u32 v1, v3  }
0xe7: {  	[tilespmem:s21], [sflag:$0x2] =	stream.indirect.gather [spmem:s2], $0x10, s24, s19, $0xb8;
	v3 =	vor.u32 v0, v3;
	[tilespmem:$0x12200] =	vst v63  }
0xe8: {  	s20 =	sadd.s32 $0x5200, s8  }
0xe9: {  	[tilespmem:s20], [sflag:$0x2] =	stream.indirect.gather [spmem:s2], $0x10, s25, s19, $0xb8;
	[tilespmem:$0x12200] =	vst v63  }
0xea: {  	s21 =	sadd.s32 $0x5A00, s8;
	s20 =	simm.s32 $0x82  }
0xeb: {  	v4 =	vmov s20;
	[tilespmem:s21], [sflag:$0x2] =	stream.indirect.gather [spmem:s2], $0x10, s26, s19, $0xb8;
	[tilespmem:$0x12200] =	vst v63  }
0xec: {  	v4 =	vshll.u32 v4, $0x3;
	v3 =	vld.idx.msk [tilespmem:v3+s11+$0x0], $0xffff  }
0xed: {  	v4 =	vor.u32 v1, v4  }
0xee: {  	v4 =	vor.u32 v0, v4;
	_ =	sdelay $0x2  }
0xef: {  	s1 =	simm.s32 $0x1E70;
	s20 =	simm.s32 $0x84;
	v3 =	vadd.s32 v2, v3  }
0xf0: {  	[tilespmem:s1+$0xFFFFFF90] =	vst v3;
	v3 =	vmov s20  }
0xf1: {  	v4 =	vld.idx.msk [tilespmem:v4+s11+$0x0], $0xffff;
	v3 =	vshll.u32 v3, $0x3  }
0xf2: {  	v3 =	vor.u32 v1, v3  }
0xf3: {  	v3 =	vor.u32 v0, v3;
	_ =	sdelay $0x2  }
0xf4: {  	s21 =	simm.s32 $0x86;
	v4 =	vadd.s32 v2, v4  }
0xf5: {  	[tilespmem:s1+$0xFFFFFFA0] =	vst v4;
	v4 =	vmov s21  }
0xf6: {  	v3 =	vld.idx.msk [tilespmem:v3+s11+$0x0], $0xffff;
	v4 =	vshll.u32 v4, $0x3  }
0xf7: {  	v4 =	vor.u32 v1, v4  }
0xf8: {  	v4 =	vor.u32 v0, v4;
	_ =	sdelay $0x2  }
0xf9: {  	s20 =	simm.s32 $0x88;
	v3 =	vadd.s32 v2, v3  }
0xfa: {  	[tilespmem:s1+$0xFFFFFFB0] =	vst v3;
	v3 =	vmov s20  }
0xfb: {  	v4 =	vld.idx.msk [tilespmem:v4+s11+$0x0], $0xffff;
	v3 =	vshll.u32 v3, $0x3  }
0xfc: {  	v3 =	vor.u32 v1, v3  }
0xfd: {  	v3 =	vor.u32 v0, v3;
	_ =	sdelay $0x2  }
0xfe: {  	s21 =	simm.s32 $0x8A;
	v4 =	vadd.s32 v2, v4  }
0xff: {  	[tilespmem:s1+$0xFFFFFFC0] =	vst v4;
	v4 =	vmov s21  }
0x100: {  	v3 =	vld.idx.msk [tilespmem:v3+s11+$0x0], $0xffff;
	v4 =	vshll.u32 v4, $0x3  }
0x101: {  	v4 =	vor.u32 v1, v4  }
0x102: {  	v4 =	vor.u32 v0, v4;
	_ =	sdelay $0x2  }
0x103: {  	s20 =	simm.s32 $0x8C;
	v3 =	vadd.s32 v2, v3  }
0x104: {  	[tilespmem:s1+$0xFFFFFFD0] =	vst v3;
	v3 =	vmov s20  }
0x105: {  	v4 =	vld.idx.msk [tilespmem:v4+s11+$0x0], $0xffff;
	v3 =	vshll.u32 v3, $0x3  }
0x106: {  	v3 =	vor.u32 v1, v3  }
0x107: {  	v3 =	vor.u32 v0, v3;
	_ =	sdelay $0x2  }
0x108: {  	v4 =	vadd.s32 v2, v4  }
0x109: {  	[tilespmem:s1+$0xFFFFFFE0] =	vst v4  }
0x10a: {  	v3 =	vld.idx.msk [tilespmem:v3+s11+$0x0], $0xffff  }
0x10b: {  	s21 =	simm.s32 $0x8E  }
0x10c: {  	v4 =	vmov s21  }
0x10d: {  	v4 =	vshll.u32 v4, $0x3  }
0x10e: {  	v4 =	vor.u32 v1, v4  }
0x10f: {  	v5 =	vadd.s32 v2, v3;
	v3 =	vor.u32 v0, v4;
	_ =	sdelay $0x3  }
0x110: {  	s19 =	simm.s32 $0x40;
	s20 =	simm.s32 $0x90;
	[tilespmem:s1+$0xFFFFFFF0] =	vst v5  }
.LBB2_7:
0x111: {  	v4 =	vmov s20;
	s19 =	sadd.s32 $0x8, s19;
	v3 =	vld.idx.msk [tilespmem:v3+s11+$0x0], $0xffff  }
0x112: {  	v4 =	vshll.u32 v4, $0x3;
	p1 =	slt.u32 s19, $0x58  }
0x113: {  	v4 =	vor.u32 v1, v4  }
0x114: {  	v4 =	vor.u32 v0, v4;
	_ =	sdelay $0x2  }
0x115: {  	v3 =	vadd.s32 v2, v3  }
0x116: {  	s21 =	sadd.s32 $0x2, s20;
	[tilespmem:s1+$0x0] =	vst v3  }
0x117: {  	v3 =	vld.idx.msk [tilespmem:v4+s11+$0x0], $0xffff;
	v4 =	vmov s21  }
0x118: {  	v4 =	vshll.u32 v4, $0x3  }
0x119: {  	v4 =	vor.u32 v1, v4  }
0x11a: {  	v4 =	vor.u32 v0, v4;
	_ =	sdelay $0x2  }
0x11b: {  	s1 =	sadd.s32 $0x80, s1;
	v3 =	vadd.s32 v2, v3  }
0x11c: {  	s21 =	sadd.s32 $0x4, s20;
	[tilespmem:s1+$0xFFFFFF90] =	vst v3  }
0x11d: {  	v3 =	vld.idx.msk [tilespmem:v4+s11+$0x0], $0xffff;
	v4 =	vmov s21  }
0x11e: {  	v4 =	vshll.u32 v4, $0x3  }
0x11f: {  	v4 =	vor.u32 v1, v4  }
0x120: {  	v4 =	vor.u32 v0, v4;
	_ =	sdelay $0x2  }
0x121: {  	v3 =	vadd.s32 v2, v3  }
0x122: {  	s21 =	sadd.s32 $0x6, s20;
	[tilespmem:s1+$0xFFFFFFA0] =	vst v3  }
0x123: {  	v3 =	vld.idx.msk [tilespmem:v4+s11+$0x0], $0xffff;
	v4 =	vmov s21  }
0x124: {  	v4 =	vshll.u32 v4, $0x3  }
0x125: {  	v4 =	vor.u32 v1, v4  }
0x126: {  	v4 =	vor.u32 v0, v4;
	_ =	sdelay $0x2  }
0x127: {  	v3 =	vadd.s32 v2, v3  }
0x128: {  	s21 =	sadd.s32 $0x8, s20;
	[tilespmem:s1+$0xFFFFFFB0] =	vst v3  }
0x129: {  	v3 =	vld.idx.msk [tilespmem:v4+s11+$0x0], $0xffff;
	v4 =	vmov s21  }
0x12a: {  	v4 =	vshll.u32 v4, $0x3  }
0x12b: {  	v4 =	vor.u32 v1, v4  }
0x12c: {  	v4 =	vor.u32 v0, v4;
	_ =	sdelay $0x2  }
0x12d: {  	v3 =	vadd.s32 v2, v3  }
0x12e: {  	s21 =	sadd.s32 $0xA, s20;
	[tilespmem:s1+$0xFFFFFFC0] =	vst v3  }
0x12f: {  	v3 =	vld.idx.msk [tilespmem:v4+s11+$0x0], $0xffff;
	v4 =	vmov s21  }
0x130: {  	v4 =	vshll.u32 v4, $0x3  }
0x131: {  	v4 =	vor.u32 v1, v4  }
0x132: {  	v4 =	vor.u32 v0, v4;
	_ =	sdelay $0x2  }
0x133: {  	v3 =	vadd.s32 v2, v3  }
0x134: {  	s21 =	sadd.s32 $0xC, s20;
	[tilespmem:s1+$0xFFFFFFD0] =	vst v3  }
0x135: {  	v3 =	vld.idx.msk [tilespmem:v4+s11+$0x0], $0xffff;
	v4 =	vmov s21  }
0x136: {  	v4 =	vshll.u32 v4, $0x3  }
0x137: {  	v4 =	vor.u32 v1, v4  }
0x138: {  	v4 =	vor.u32 v0, v4;
	_ =	sdelay $0x2  }
0x139: {  	v3 =	vadd.s32 v2, v3  }
0x13a: {  	s21 =	sadd.s32 $0xE, s20;
	[tilespmem:s1+$0xFFFFFFE0] =	vst v3  }
0x13b: {  	v3 =	vmov s21;
	v4 =	vld.idx.msk [tilespmem:v4+s11+$0x0], $0xffff  }
0x13c: {  	v3 =	vshll.u32 v3, $0x3  }
0x13d: {  	v3 =	vor.u32 v1, v3  }
.Ltmp2:
0x13e: {  	v3 =	vor.u32 v0, v3;
	(pc) =	sbr.rel @p1 .LBB2_7-.Ltmp2, $3  }
0x13f: {  	_ =	sdelay $0x1  }
0x140: {  	v4 =	vadd.s32 v2, v4  }
0x141: {  	s20 =	sadd.s32 $0x10, s20;
	[tilespmem:s1+$0xFFFFFFF0] =	vst v4  }
0x142: {  	_ =	sdelay $0x3  }
0x143: {  	v3 =	vld.idx.msk [tilespmem:v3+s11+$0x0], $0xffff;
	_ =	sdelay $0x4  }
0x144: {  	s19 =	simm.s32 $0xC0;
	v3 =	vadd.s32 v2, v3  }
0x145: {  	s20 =	sadd.s32 $0x6200, s8;
	[tilespmem:s1+$0x0] =	vst v3;
	v3 =	vmov s19  }
0x146: {  	[tilespmem:s20], [sflag:$0x2] =	stream.indirect.gather [spmem:s2], $0x10, s28, s14, $0xb8;
	v3 =	vshll.u32 v3, $0x3;
	[tilespmem:$0x12200] =	vst v63  }
0x147: {  	s21 =	sadd.s32 $0x6A00, s8;
	v3 =	vor.u32 v1, v3  }
0x148: {  	[tilespmem:s21], [sflag:$0x2] =	stream.indirect.gather [spmem:s2], $0x10, s29, s14, $0xb8;
	v3 =	vor.u32 v0, v3;
	[tilespmem:$0x12200] =	vst v63  }
0x149: {  	s19 =	sadd.s32 $0x7200, s8  }
0x14a: {  	[tilespmem:s19], [sflag:$0x2] =	stream.indirect.gather [spmem:s2], $0x10, s30, s14, $0xb8;
	[tilespmem:$0x12200] =	vst v63  }
0x14b: {  	s20 =	sadd.s32 $0x7A00, s8;
	s21 =	simm.s32 $0xC2  }
0x14c: {  	v4 =	vmov s21;
	[tilespmem:s20], [sflag:$0x2] =	stream.indirect.gather [spmem:s2], $0x10, s31, s14, $0xb8;
	[tilespmem:$0x12200] =	vst v63  }
0x14d: {  	v4 =	vshll.u32 v4, $0x3;
	v3 =	vld.idx.msk [tilespmem:v3+s11+$0x0], $0xffff  }
0x14e: {  	v4 =	vor.u32 v1, v4  }
0x14f: {  	v4 =	vor.u32 v0, v4;
	_ =	sdelay $0x2  }
0x150: {  	s1 =	simm.s32 $0x2070;
	s20 =	simm.s32 $0xC4;
	v3 =	vadd.s32 v2, v3  }
0x151: {  	[tilespmem:s1+$0xFFFFFF90] =	vst v3;
	v3 =	vmov s20  }
0x152: {  	v4 =	vld.idx.msk [tilespmem:v4+s11+$0x0], $0xffff;
	v3 =	vshll.u32 v3, $0x3  }
0x153: {  	v3 =	vor.u32 v1, v3  }
0x154: {  	v3 =	vor.u32 v0, v3;
	_ =	sdelay $0x2  }
0x155: {  	s21 =	simm.s32 $0xC6;
	v4 =	vadd.s32 v2, v4  }
0x156: {  	[tilespmem:s1+$0xFFFFFFA0] =	vst v4;
	v4 =	vmov s21  }
0x157: {  	v3 =	vld.idx.msk [tilespmem:v3+s11+$0x0], $0xffff;
	v4 =	vshll.u32 v4, $0x3  }
0x158: {  	v4 =	vor.u32 v1, v4  }
0x159: {  	v4 =	vor.u32 v0, v4;
	_ =	sdelay $0x2  }
0x15a: {  	s20 =	simm.s32 $0xC8;
	v3 =	vadd.s32 v2, v3  }
0x15b: {  	[tilespmem:s1+$0xFFFFFFB0] =	vst v3;
	v3 =	vmov s20  }
0x15c: {  	v4 =	vld.idx.msk [tilespmem:v4+s11+$0x0], $0xffff;
	v3 =	vshll.u32 v3, $0x3  }
0x15d: {  	v3 =	vor.u32 v1, v3  }
0x15e: {  	v3 =	vor.u32 v0, v3;
	_ =	sdelay $0x2  }
0x15f: {  	s21 =	simm.s32 $0xCA;
	v4 =	vadd.s32 v2, v4  }
0x160: {  	[tilespmem:s1+$0xFFFFFFC0] =	vst v4;
	v4 =	vmov s21  }
0x161: {  	v3 =	vld.idx.msk [tilespmem:v3+s11+$0x0], $0xffff;
	v4 =	vshll.u32 v4, $0x3  }
0x162: {  	v4 =	vor.u32 v1, v4  }
0x163: {  	v4 =	vor.u32 v0, v4;
	_ =	sdelay $0x2  }
0x164: {  	s20 =	simm.s32 $0xCC;
	v3 =	vadd.s32 v2, v3  }
0x165: {  	[tilespmem:s1+$0xFFFFFFD0] =	vst v3;
	v3 =	vmov s20  }
0x166: {  	v4 =	vld.idx.msk [tilespmem:v4+s11+$0x0], $0xffff;
	v3 =	vshll.u32 v3, $0x3  }
0x167: {  	v3 =	vor.u32 v1, v3  }
0x168: {  	v3 =	vor.u32 v0, v3;
	_ =	sdelay $0x2  }
0x169: {  	v4 =	vadd.s32 v2, v4  }
0x16a: {  	[tilespmem:s1+$0xFFFFFFE0] =	vst v4  }
0x16b: {  	v3 =	vld.idx.msk [tilespmem:v3+s11+$0x0], $0xffff  }
0x16c: {  	s21 =	simm.s32 $0xCE  }
0x16d: {  	v4 =	vmov s21  }
0x16e: {  	v4 =	vshll.u32 v4, $0x3  }
0x16f: {  	v4 =	vor.u32 v1, v4  }
0x170: {  	v5 =	vadd.s32 v2, v3;
	v3 =	vor.u32 v0, v4;
	_ =	sdelay $0x3  }
0x171: {  	s19 =	simm.s32 $0x60;
	s20 =	simm.s32 $0xD0;
	[tilespmem:s1+$0xFFFFFFF0] =	vst v5  }
.LBB2_9:
0x172: {  	v4 =	vmov s20;
	s19 =	sadd.s32 $0x8, s19;
	v3 =	vld.idx.msk [tilespmem:v3+s11+$0x0], $0xffff  }
0x173: {  	v4 =	vshll.u32 v4, $0x3;
	p1 =	slt.u32 s19, $0x78  }
0x174: {  	v4 =	vor.u32 v1, v4  }
0x175: {  	v4 =	vor.u32 v0, v4;
	_ =	sdelay $0x2  }
0x176: {  	v3 =	vadd.s32 v2, v3  }
0x177: {  	s21 =	sadd.s32 $0x2, s20;
	[tilespmem:s1+$0x0] =	vst v3  }
0x178: {  	v3 =	vld.idx.msk [tilespmem:v4+s11+$0x0], $0xffff;
	v4 =	vmov s21  }
0x179: {  	v4 =	vshll.u32 v4, $0x3  }
0x17a: {  	v4 =	vor.u32 v1, v4  }
0x17b: {  	v4 =	vor.u32 v0, v4;
	_ =	sdelay $0x2  }
0x17c: {  	s1 =	sadd.s32 $0x80, s1;
	v3 =	vadd.s32 v2, v3  }
0x17d: {  	s21 =	sadd.s32 $0x4, s20;
	[tilespmem:s1+$0xFFFFFF90] =	vst v3  }
0x17e: {  	v3 =	vld.idx.msk [tilespmem:v4+s11+$0x0], $0xffff;
	v4 =	vmov s21  }
0x17f: {  	v4 =	vshll.u32 v4, $0x3  }
0x180: {  	v4 =	vor.u32 v1, v4  }
0x181: {  	v4 =	vor.u32 v0, v4;
	_ =	sdelay $0x2  }
0x182: {  	v3 =	vadd.s32 v2, v3  }
0x183: {  	s21 =	sadd.s32 $0x6, s20;
	[tilespmem:s1+$0xFFFFFFA0] =	vst v3  }
0x184: {  	v3 =	vld.idx.msk [tilespmem:v4+s11+$0x0], $0xffff;
	v4 =	vmov s21  }
0x185: {  	v4 =	vshll.u32 v4, $0x3  }
0x186: {  	v4 =	vor.u32 v1, v4  }
0x187: {  	v4 =	vor.u32 v0, v4;
	_ =	sdelay $0x2  }
0x188: {  	v3 =	vadd.s32 v2, v3  }
0x189: {  	s21 =	sadd.s32 $0x8, s20;
	[tilespmem:s1+$0xFFFFFFB0] =	vst v3  }
0x18a: {  	v3 =	vld.idx.msk [tilespmem:v4+s11+$0x0], $0xffff;
	v4 =	vmov s21  }
0x18b: {  	v4 =	vshll.u32 v4, $0x3  }
0x18c: {  	v4 =	vor.u32 v1, v4  }
0x18d: {  	v4 =	vor.u32 v0, v4;
	_ =	sdelay $0x2  }
0x18e: {  	v3 =	vadd.s32 v2, v3  }
0x18f: {  	s21 =	sadd.s32 $0xA, s20;
	[tilespmem:s1+$0xFFFFFFC0] =	vst v3  }
0x190: {  	v3 =	vld.idx.msk [tilespmem:v4+s11+$0x0], $0xffff;
	v4 =	vmov s21  }
0x191: {  	v4 =	vshll.u32 v4, $0x3  }
0x192: {  	v4 =	vor.u32 v1, v4  }
0x193: {  	v4 =	vor.u32 v0, v4;
	_ =	sdelay $0x2  }
0x194: {  	v3 =	vadd.s32 v2, v3  }
0x195: {  	s21 =	sadd.s32 $0xC, s20;
	[tilespmem:s1+$0xFFFFFFD0] =	vst v3  }
0x196: {  	v3 =	vld.idx.msk [tilespmem:v4+s11+$0x0], $0xffff;
	v4 =	vmov s21  }
0x197: {  	v4 =	vshll.u32 v4, $0x3  }
0x198: {  	v4 =	vor.u32 v1, v4  }
0x199: {  	v4 =	vor.u32 v0, v4;
	_ =	sdelay $0x2  }
0x19a: {  	v3 =	vadd.s32 v2, v3  }
0x19b: {  	s21 =	sadd.s32 $0xE, s20;
	[tilespmem:s1+$0xFFFFFFE0] =	vst v3  }
0x19c: {  	v3 =	vmov s21;
	v4 =	vld.idx.msk [tilespmem:v4+s11+$0x0], $0xffff  }
0x19d: {  	v3 =	vshll.u32 v3, $0x3  }
0x19e: {  	v3 =	vor.u32 v1, v3  }
.Ltmp3:
0x19f: {  	v3 =	vor.u32 v0, v3;
	(pc) =	sbr.rel @p1 .LBB2_9-.Ltmp3, $3  }
0x1a0: {  	_ =	sdelay $0x1  }
0x1a1: {  	v4 =	vadd.s32 v2, v4  }
0x1a2: {  	s20 =	sadd.s32 $0x10, s20;
	[tilespmem:s1+$0xFFFFFFF0] =	vst v4  }
0x1a3: {  	_ =	sdelay $0x3  }
0x1a4: {  	v3 =	vld.idx.msk [tilespmem:v3+s11+$0x0], $0xffff;
	_ =	sdelay $0x4  }
0x1a5: {  	s20 =	sadd.s32 $0x8200, s8;
	v3 =	vadd.s32 v2, v3  }
0x1a6: {  	s21 =	sadd.s32 $0x8A00, s8;
	p1 =	seq.s32 s10, $0x63;
	[tilespmem:s1+$0x0] =	vst v3;
	s1 =	sadd.s32 $0x1, s10  }
0x1a7: {  	[tilespmem:s20], [sflag:$0x2] =	stream.indirect.gather [spmem:s2], $0x10, s0, s14, $0xb8;
	[tilespmem:$0x12200] =	vst v63  }
0x1a8: {  	s11 =	sadd.s32 $0x9200, s8;
	s19 =	sadd.s32 $0x9A00, s8;
	s8 =	sshll.u32 @!p1 s1, $0x8  }
0x1a9: {  	[tilespmem:s21], [sflag:$0x2] =	stream.indirect.gather [spmem:s2], $0x10, s15, s14, $0xb8;
	[tilespmem:$0x12200] =	vst v63  }
0x1aa: {  	s8 =	sadd.s32 @!p1 s4, s8  }
0x1ab: {  	[tilespmem:s11], [sflag:$0x2] =	stream.indirect.gather [spmem:s2], $0x10, s16, s14, $0xb8;
	[tilespmem:$0x12200] =	vst v63  }
0x1ac: {  	s8 =	sshrl.u32 @!p1 s8, $0x3;
	s11 =	sshll.u32 @!p1 s13, $0x8  }
0x1ad: {  	[tilespmem:s19], [sflag:$0x2] =	stream.indirect.gather [spmem:s2], $0x10, s17, s14, $0xb8;
	[tilespmem:$0x12200] =	vst v63  }
0x1ae: {  	s20 =	simm.s32 @!p1 $0x0;
	s8 =	sadd.s32 @!p1 s5, s8;
	s19 =	sor.u32 @!p1 $0x800, s11  }
0x1af: {  	[tilespmem:s19], [sflag:$0x4] =	stream.linear.gather @!p1 [hbm4b:s8+s20], $0x100, $0x38;
	[tilespmem:$0x12200] =	vst v63  }
0x1b0: {  	s8 =	simm.s32 @!p1 $0x4  }
0x1b1: {  	_ =	swait.ge @!p1 [sflag:s8], $0x100  }
0x1b2: {  	s13 =	sshll.u32 @!p1 s13, $0xB;
	[sflag:s8] =	ssyncset.done @!p1 $0x0  }
0x1b3: {  	s20 =	simm.s32 @!p1 $0x80;
	[sflag:s8] =	ssyncadd.s32 @!p1 $0xFFFFFF00;
	s8 =	sadd.s32 @!p1 $0xA00, s13  }
0x1b4: {  	[tilespmem:s8], [sflag:$0x1] =	stream.indirect.gather @!p1 [hbm4b:s7+s20], $0x8, s19, s20, $0xb8;
	[tilespmem:$0x12200] =	vst v63  }
0x1b5: {  	s11 =	sor.u32 @!p1 $0x880, s11;
	s8 =	sadd.s32 @!p1 $0xE00, s13  }
0x1b6: {  	[tilespmem:s8], [sflag:$0x1] =	stream.indirect.gather @!p1 [hbm4b:s7+s20], $0x8, s11, s20, $0xb8;
	[tilespmem:$0x12200] =	vst v63  }
0x1b7: {  	_ =	swait.ge [sflag:s12], $0x800  }
0x1b8: {  	[sflag:s12] =	ssyncset.done $0x0  }
0x1b9: {  	[sflag:s12] =	ssyncadd.s32 $0xFFFFF800  }
0x1ba: {  	_ =	swait.ge [sflag:s12], $0x800  }
0x1bb: {  	[sflag:s12] =	ssyncset.done $0x0  }
0x1bc: {  	[sflag:s12] =	ssyncadd.s32 $0xFFFFF800  }
0x1bd: {  	_ =	swait.ge [sflag:s12], $0x800  }
0x1be: {  	[sflag:s12] =	ssyncset.done $0x0  }
0x1bf: {  	[sflag:s12] =	ssyncadd.s32 $0xFFFFF800  }
0x1c0: {  	_ =	swait.ge [sflag:s12], $0x800  }
0x1c1: {  	[sflag:s12] =	ssyncset.done $0x0  }
0x1c2: {  	[sflag:s12] =	ssyncadd.s32 $0xFFFFF800  }
0x1c3: {  	_ =	swait.ge [sflag:s12], $0x800  }
0x1c4: {  	[sflag:s12] =	ssyncset.done $0x0  }
0x1c5: {  	[sflag:s12] =	ssyncadd.s32 $0xFFFFF800  }
0x1c6: {  	_ =	swait.ge [sflag:s12], $0x800  }
0x1c7: {  	[sflag:s12] =	ssyncset.done $0x0  }
0x1c8: {  	[sflag:s12] =	ssyncadd.s32 $0xFFFFF800  }
0x1c9: {  	_ =	swait.ge [sflag:s12], $0x800  }
0x1ca: {  	[sflag:s12] =	ssyncset.done $0x0  }
0x1cb: {  	[sflag:s12] =	ssyncadd.s32 $0xFFFFF800  }
0x1cc: {  	_ =	swait.ge [sflag:s12], $0x800  }
0x1cd: {  	[sflag:s12] =	ssyncset.done $0x0  }
0x1ce: {  	[sflag:s12] =	ssyncadd.s32 $0xFFFFF800  }
0x1cf: {  	_ =	swait.ge [sflag:s12], $0x800  }
0x1d0: {  	[sflag:s12] =	ssyncset.done $0x0  }
0x1d1: {  	[sflag:s12] =	ssyncadd.s32 $0xFFFFF800  }
0x1d2: {  	_ =	swait.ge [sflag:s12], $0x800  }
0x1d3: {  	[sflag:s12] =	ssyncset.done $0x0  }
0x1d4: {  	[sflag:s12] =	ssyncadd.s32 $0xFFFFF800  }
0x1d5: {  	_ =	swait.ge [sflag:s12], $0x800  }
0x1d6: {  	[sflag:s12] =	ssyncset.done $0x0  }
0x1d7: {  	[sflag:s12] =	ssyncadd.s32 $0xFFFFF800  }
0x1d8: {  	_ =	swait.ge [sflag:s12], $0x800  }
0x1d9: {  	[sflag:s12] =	ssyncset.done $0x0  }
0x1da: {  	[sflag:s12] =	ssyncadd.s32 $0xFFFFF800  }
0x1db: {  	_ =	swait.ge [sflag:s12], $0x800  }
0x1dc: {  	[sflag:s12] =	ssyncset.done $0x0  }
0x1dd: {  	[sflag:s12] =	ssyncadd.s32 $0xFFFFF800  }
0x1de: {  	_ =	swait.ge [sflag:s12], $0x800  }
0x1df: {  	[sflag:s12] =	ssyncset.done $0x0  }
0x1e0: {  	[sflag:s12] =	ssyncadd.s32 $0xFFFFF800  }
0x1e1: {  	_ =	swait.ge [sflag:s12], $0x800  }
0x1e2: {  	[sflag:s12] =	ssyncset.done $0x0  }
0x1e3: {  	[sflag:s12] =	ssyncadd.s32 $0xFFFFF800  }
0x1e4: {  	p1 =	sne.s32 s1, $0x64;
	_ =	swait.ge [sflag:s12], $0x800  }
.Ltmp4:
0x1e5: {  	s20 =	sshll.u32 s10, $0xF;
	[sflag:s12] =	ssyncset.done $0x0;
	(pc) =	sbr.rel @p1 .LBB2_2-.Ltmp4, $4  }
0x1e6: {  	s8 =	sadd.s32 s9, s20;
	[sflag:s12] =	ssyncadd.s32 $0xFFFFF800  }
0x1e7: {  	s8 =	sshrl.u32 s8, $0x3;
	s21 =	rddreg [dreg:$0x1]  }
0x1e8: {  	s10 =	smov.u32 s1;
	s8 =	sadd.s32 s21, s8  }
0x1e9: {  	[hbm4b:s8+s3] =	stream.linear.scatter [tilespmem:s6], [sflag:$0x3], $0x8000, $0x38;
	[tilespmem:$0x12200] =	vst v63  }
0x1ea: {  	s6 =	simm.s32 $0x3  }
0x1eb: {  	_ =	swait.ge [sflag:s6], $0x8000  }
0x1ec: {  	[sflag:s6] =	ssyncset.done $0x0  }
0x1ed: {  	[sflag:s6] =	ssyncadd.s32 $0xFFFF8000  }
0x1ee: {  	_ =	swait.ge [sflag:s6], $0x8000  }
0x1ef: {  	s8 =	rddreg [dreg:$0x8]  }
0x1f0: {  	s1 =	rddreg [dreg:$0x6];
	s8 =	sadd.s32 $0x1, s8  }
0x1f1: {  	p1 =	sne.s32 s8, s1  }
.Ltmp5:
0x1f2: {  	_ = 	snop;
	(pc) =	sbr.rel @p1 .LBB2_1-.Ltmp5, $3  }
0x1f3: {  	_ =	sdelay $0x1  }
0x1f4: {  	[sflag:s6] =	ssyncset.done $0x0  }
0x1f5: {  	[sflag:s6] =	ssyncadd.s32 $0xFFFF8000  }
0x1f6: {  	_ =	sfence.sel $0x180000  }
0x1f7: {  	[bflag:$0x0] =	sbarrier.arrive $0xFFFF  }
0x1f8: {  	_ =	strace $0x90000047  }
0x1f9: {  	[bflag:$0x2] =	sbarrier.arrive $0xFFFF  }
0x1fa: {  	s0 =	rddreg [dreg:$0x3]  }
0x1fb: {  	s0 =	sadd.s32 @!p0 $0x100000, s0  }
0x1fc: {  	[sflag:s0] =	ssyncadd.tile.s32 @!p0 $0x1;
	_ =	shalt  }
.Lfunc_end2:
_tile_overlayer_lowered:
.L_overlay_start_2:
0x1fd: {  	(tag) =	ssettag $0x2  }
0x1fe: {  	s0 =	rddreg [dreg:$0x0];
	s2 =	stileid.u32  }
0x1ff: {  	s1 =	rddreg [dreg:$0x1];
	p0 =	sne.s32 s2, $0x0  }
0x200: {  	s3 =	rddreg [dreg:$0x2];
	[bflag:$0x3] =	sbarrier.arrive $0xFFFF;
	s2 =	simm.s32 @!p0 $0x1C04  }
0x201: {  	[timem:s3], [sflag:s2] =	dma.local @!p0 [hbm:s0], s1  }
0x202: {  	s0 =	simm.s32 @!p0 $0x4  }
0x203: {  	_ =	swait.ge @!p0 [sflag:s0], s1  }
0x204: {  	s1 =	ssub.s32 @!p0 $0x0, s1;
	[sflag:s0] =	ssyncset.done @!p0 $0x0  }
0x205: {  	[sflag:s0] =	ssyncadd.s32 @!p0 s1  }
0x206: {  	[bflag:$0x3] =	sbarrier.arrive $0xFFFF  }
0x207: {  	_ =	shalt  }

</sc_bundles>
